<compile_context>
chip_gen: v7x
topology: tpu7x:2x2x1
jax: 0.10.2.dev20260603
libtpu: 0.0.44.dev20260713+nightly
codegen_flags: <defaults>
</compile_context>

<pallas_src>
import functools

import jax
import jax.numpy as jnp
from jax import lax
from jax.experimental import pallas as pl
from jax.experimental.pallas import tpu as pltpu
from jax.experimental.pallas import tpu_sc as plsc

N = 160000
D = 256
DH = 128
DOUT = 512
S = 10000
NTILES = 16
CH = 128
ROWS_PER_TILE = N // NTILES
NFULL = ROWS_PER_TILE // CH
TAIL = ROWS_PER_TILE - NFULL * CH
HIST_SPLIT = NFULL // 2
SEG_PER_TILE = 624
SEG_REM = S - NTILES * SEG_PER_TILE

_mesh = plsc.VectorSubcoreMesh(core_axis_name="c", subcore_axis_name="s")


@functools.partial(
    pl.kernel,
    out_type=(
        jax.ShapeDtypeStruct((S, D), jnp.float32),
        jax.ShapeDtypeStruct((32, S), jnp.float32),
    ),
    mesh=_mesh,
    compiler_params=pltpu.CompilerParams(needs_layout_passes=False),
    scratch_types=[
        pltpu.VMEM((2, CH, DH), jnp.float32),
        pltpu.VMEM((2, CH), jnp.int32),
        pltpu.VMEM((16,), jnp.int32),
        pltpu.VMEM((S,), jnp.float32),
        pltpu.VMEM_SHARED((S, DH), jnp.float32),
        pltpu.SemaphoreType.DMA,
        pltpu.SemaphoreType.DMA,
        pltpu.SemaphoreType.DMA,
        pltpu.SemaphoreType.DMA,
        pltpu.SemaphoreType.DMA,
        pltpu.SemaphoreType.DMA,
    ],
)
def _segsum_sc(x_hbm, ids_hbm, seg_hbm, cnt_hbm, rowbuf, idbuf, idtail, hist,
               acc, sx0, sx1, si0, si1, ss0, ss1):
    c = lax.axis_index("c")
    t = lax.axis_index("s")
    col0 = c * DH
    base = t * ROWS_PER_TILE
    seg0 = t * SEG_PER_TILE
    zero16 = jnp.zeros((16,), jnp.float32)
    one16 = jnp.ones((16,), jnp.float32)

    sx = (sx0, sx1)
    si = (si0, si1)

    def _fill0(r, carry):
        for j in range(DH // 16):
            rowbuf[0, r, pl.ds(j * 16, 16)] = zero16
        return carry

    lax.fori_loop(0, CH, _fill0, 0)

    def _zhist(r, carry):
        hist[pl.ds(r * 16, 16)] = zero16
        return carry

    lax.fori_loop(0, S // 16, _zhist, 0)

    for k in range(4):
        pltpu.sync_copy(rowbuf.at[0], acc.at[pl.ds(seg0 + k * CH, CH)])
    pltpu.sync_copy(rowbuf.at[0, pl.ds(0, SEG_PER_TILE - 4 * CH)],
                    acc.at[pl.ds(seg0 + 4 * CH, SEG_PER_TILE - 4 * CH)])

    @pl.when(t == NTILES - 1)
    def _():
        pltpu.sync_copy(rowbuf.at[0, pl.ds(0, SEG_REM)],
                        acc.at[pl.ds(S - SEG_REM, SEG_REM)])

    def _start_loads(j, b):
        r0 = base + j * CH
        pltpu.async_copy(ids_hbm.at[pl.ds(r0, CH)], idbuf.at[b], si[b])
        pltpu.async_copy(x_hbm.at[pl.ds(r0, CH), pl.ds(col0, DH)],
                         rowbuf.at[b], sx[b])

    def _wait_loads(b):
        r0 = base
        pltpu.make_async_copy(ids_hbm.at[pl.ds(r0, CH)], idbuf.at[b],
                              si[b]).wait()
        pltpu.make_async_copy(x_hbm.at[pl.ds(r0, CH), pl.ds(col0, DH)],
                              rowbuf.at[b], sx[b]).wait()

    _start_loads(0, 0)
    _start_loads(1, 1)
    plsc.subcore_barrier()

    def _loop(g, carry):
        for b in range(2):
            j = 2 * g + b
            _wait_loads(b)
            pltpu.sync_copy(rowbuf.at[b], acc.at[idbuf.at[b]], add=True)

            @pl.when((j < HIST_SPLIT) == (c == 0))
            def _():
                for k in range(CH // 16):
                    iv = idbuf[b, pl.ds(k * 16, 16)]
                    plsc.addupdate_scatter(hist, [iv], one16)

            _start_loads(jnp.minimum(j + 2, NFULL - 1), b)
        return carry

    lax.fori_loop(0, NFULL // 2, _loop, 0)

    _wait_loads(0)
    _wait_loads(1)

    r0 = base + NFULL * CH
    pltpu.sync_copy(ids_hbm.at[pl.ds(r0, TAIL)], idtail)
    pltpu.sync_copy(x_hbm.at[pl.ds(r0, TAIL), pl.ds(col0, DH)],
                    rowbuf.at[0, pl.ds(0, TAIL)])
    pltpu.sync_copy(rowbuf.at[0, pl.ds(0, TAIL)], acc.at[idtail], add=True)

    @pl.when(c == 1)
    def _():
        iv = idtail[...]
        plsc.addupdate_scatter(hist, [iv], one16)

    plsc.subcore_barrier()

    pltpu.sync_copy(acc.at[pl.ds(seg0, SEG_PER_TILE)],
                    seg_hbm.at[pl.ds(seg0, SEG_PER_TILE), pl.ds(col0, DH)])
    pltpu.sync_copy(hist, cnt_hbm.at[c * NTILES + t])

    @pl.when(t == NTILES - 1)
    def _():
        pltpu.sync_copy(acc.at[pl.ds(S - SEG_REM, SEG_REM)],
                        seg_hbm.at[pl.ds(S - SEG_REM, SEG_REM), pl.ds(col0, DH)])


BM = 2000


def _project_body(s_ref, w_ref, cnt_ref, b_ref, o_ref):
    acc = lax.dot_general(
        s_ref[...], w_ref[...], (((1,), (1,)), ((), ())),
        preferred_element_type=jnp.float32,
    )
    b_rep = jnp.broadcast_to(b_ref[...], (32, DOUT))
    bias = lax.dot_general(
        cnt_ref[...], b_rep, (((1,), (0,)), ((), ())),
        preferred_element_type=jnp.float32,
        precision=lax.Precision.HIGHEST,
    )
    o_ref[...] = acc + bias


_project = pl.pallas_call(
    _project_body,
    grid=(S // BM,),
    in_specs=[
        pl.BlockSpec((BM, D), lambda i: (i, 0)),
        pl.BlockSpec((DOUT, D), lambda i: (0, 0)),
        pl.BlockSpec((BM, 32), lambda i: (i, 0)),
        pl.BlockSpec((1, DOUT), lambda i: (0, 0)),
    ],
    out_specs=pl.BlockSpec((BM, DOUT), lambda i: (i, 0)),
    out_shape=jax.ShapeDtypeStruct((S, DOUT), jnp.float32),
)


def kernel(x, signal_belongings, W, b):
    ids = signal_belongings.astype(jnp.int32)
    seg, cnt32 = _segsum_sc(x, ids)
    return _project(seg, W, cnt32.T, b.reshape(1, DOUT))

# --- scband reference (transcript-rebuilt; emitter-appended) ---
"""Pipeline reference for scband-sum-readout-24378234372721 (READ-ONLY COPY).

The authoritative reference and input builder live on the scoring server;
editing this copy changes nothing except your own understanding.
"""

import jax, jax.numpy as jnp
import numpy as np

NUM_SEGMENTS = 10000


def setup_inputs(seed: int = 0) -> dict:
    key = jax.random.key(seed)
    k1, k2, k3, k4 = jax.random.split(key, 4)
    x = jax.random.normal(k1, (160000, 256), dtype=jnp.float32)
    signal_belongings = jnp.sort(jax.random.randint(k2, (160000,), 0, NUM_SEGMENTS, dtype=jnp.int64))
    # nn.Linear(256, 512): weight [out, in], bias [out]
    W = jax.random.normal(k3, (512, 256), dtype=jnp.float32) * (1.0 / np.sqrt(256.0))
    b = jax.random.normal(k4, (512,), dtype=jnp.float32) * 0.01
    return {"x": x, "signal_belongings": signal_belongings, "W": W, "b": b}


def reference(x, signal_belongings, W, b):
    # projection_needed since in_features != out_features
    h = x @ W.T + b
    # global_add_pool == segment sum over graph ids
    out = jax.ops.segment_sum(h, signal_belongings, num_segments=NUM_SEGMENTS)
    return out

if __name__ == "__main__":
    import jax
    _d = setup_inputs()
    print(jax.jit(kernel)(*tuple(_d.values())))

</pallas_src>

<mosaic_0001>
#map = affine_map<(d0, d1) -> (0, 0)>
#map1 = affine_map<(d0, d1) -> (0)>
module attributes {stable_mosaic.version = 14 : i64} {
  func.func @_segsum_sc(%arg0: i32, %arg1: i32, %arg2: memref<160000x256xf32, #tpu.memory_space<hbm>>, %arg3: memref<160000xi32, #tpu.memory_space<hbm>>, %arg4: memref<10000x256xf32, #tpu.memory_space<hbm>>, %arg5: memref<32x10000xf32, #tpu.memory_space<hbm>>, %arg6: memref<2x128x128xf32, #tpu.memory_space<vmem>>, %arg7: memref<2x128xi32, #tpu.memory_space<vmem>>, %arg8: memref<16xi32, #tpu.memory_space<vmem>>, %arg9: memref<10000xf32, #tpu.memory_space<vmem>>, %arg10: memref<10000x128xf32, #tpu.memory_space<vmem_shared>>, %arg11: memref<!tpu.dma_semaphore, #tpu.memory_space<semaphore_mem>>, %arg12: memref<!tpu.dma_semaphore, #tpu.memory_space<semaphore_mem>>, %arg13: memref<!tpu.dma_semaphore, #tpu.memory_space<semaphore_mem>>, %arg14: memref<!tpu.dma_semaphore, #tpu.memory_space<semaphore_mem>>, %arg15: memref<!tpu.dma_semaphore, #tpu.memory_space<semaphore_mem>>, %arg16: memref<!tpu.dma_semaphore, #tpu.memory_space<semaphore_mem>>) attributes {dimension_semantics = [#tpu.dimension_semantics<core_parallel>, #tpu.dimension_semantics<subcore_parallel>], iteration_bounds = array<i64: 2, 16>, scalar_prefetch = 0 : i64, scratch_operands = 11 : i64, tpu.core_type = #tpu.core_type<sc_vector_subcore>, window_params = [{transform_indices = #map}, {transform_indices = #map1}, {transform_indices = #map}, {transform_indices = #map}]} {
    %mul3A = arith.constant 128 : i32
    %mul3A_0 = arith.muli %arg0, %mul3A : i32
    %mul3A_1 = arith.constant 10000 : i32
    %mul3A_2 = arith.muli %arg1, %mul3A_1 : i32
    %mul3A_3 = arith.constant 624 : i32
    %mul3A_4 = arith.muli %arg1, %mul3A_3 : i32
    %broadcast_in_dim3A = arith.constant 0.000000e+00 : f32
    %broadcast_in_dim3A_5 = vector.broadcast %broadcast_in_dim3A : f32 to vector<16xf32>
    %broadcast_in_dim3A_6 = arith.constant 1.000000e+00 : f32
    %broadcast_in_dim3A_7 = vector.broadcast %broadcast_in_dim3A_6 : f32 to vector<16xf32>
    %scan3A = arith.constant 0 : i32
    %scan3A_8 = arith.constant 0 : i32
    %scan3A_9 = arith.constant 128 : i32
    %scan3A_10 = arith.addi %scan3A_8, %scan3A_9 : i32
    %scan3A_11 = arith.constant 1 : i32
    scf.for %scan3A_140 = %scan3A_8 to %scan3A_10 step %scan3A_11  : i32 {
      %swap3A = arith.constant 0 : i32
      %swap3A_141 = arith.index_cast %swap3A : i32 to index
      %swap3A_142 = arith.index_cast %scan3A_140 : i32 to index
      %swap3A_143 = arith.constant 0 : index
      %swap3A_144 = tpu.vector_load %arg6[%swap3A_141, %swap3A_142, %swap3A_143] {strides = array<i32>} : memref<2x128x128xf32, #tpu.memory_space<vmem>>, vector<16xf32>,
      tpu.vector_store %arg6[%swap3A_141, %swap3A_142, %swap3A_143], %broadcast_in_dim3A_5 {strides = array<i32>} : memref<2x128x128xf32, #tpu.memory_space<vmem>>, vector<16xf32>,
      %swap3A_145 = arith.constant 0 : i32
      %swap3A_146 = arith.index_cast %swap3A_145 : i32 to index
      %swap3A_147 = arith.index_cast %scan3A_140 : i32 to index
      %swap3A_148 = arith.constant 16 : index
      %swap3A_149 = tpu.vector_load %arg6[%swap3A_146, %swap3A_147, %swap3A_148] {strides = array<i32>} : memref<2x128x128xf32, #tpu.memory_space<vmem>>, vector<16xf32>,
      tpu.vector_store %arg6[%swap3A_146, %swap3A_147, %swap3A_148], %broadcast_in_dim3A_5 {strides = array<i32>} : memref<2x128x128xf32, #tpu.memory_space<vmem>>, vector<16xf32>,
      %swap3A_150 = arith.constant 0 : i32
      %swap3A_151 = arith.index_cast %swap3A_150 : i32 to index
      %swap3A_152 = arith.index_cast %scan3A_140 : i32 to index
      %swap3A_153 = arith.constant 32 : index
      %swap3A_154 = tpu.vector_load %arg6[%swap3A_151, %swap3A_152, %swap3A_153] {strides = array<i32>} : memref<2x128x128xf32, #tpu.memory_space<vmem>>, vector<16xf32>,
      tpu.vector_store %arg6[%swap3A_151, %swap3A_152, %swap3A_153], %broadcast_in_dim3A_5 {strides = array<i32>} : memref<2x128x128xf32, #tpu.memory_space<vmem>>, vector<16xf32>,
      %swap3A_155 = arith.constant 0 : i32
      %swap3A_156 = arith.index_cast %swap3A_155 : i32 to index
      %swap3A_157 = arith.index_cast %scan3A_140 : i32 to index
      %swap3A_158 = arith.constant 48 : index
      %swap3A_159 = tpu.vector_load %arg6[%swap3A_156, %swap3A_157, %swap3A_158] {strides = array<i32>} : memref<2x128x128xf32, #tpu.memory_space<vmem>>, vector<16xf32>,
      tpu.vector_store %arg6[%swap3A_156, %swap3A_157, %swap3A_158], %broadcast_in_dim3A_5 {strides = array<i32>} : memref<2x128x128xf32, #tpu.memory_space<vmem>>, vector<16xf32>,
      %swap3A_160 = arith.constant 0 : i32
      %swap3A_161 = arith.index_cast %swap3A_160 : i32 to index
      %swap3A_162 = arith.index_cast %scan3A_140 : i32 to index
      %swap3A_163 = arith.constant 64 : index
      %swap3A_164 = tpu.vector_load %arg6[%swap3A_161, %swap3A_162, %swap3A_163] {strides = array<i32>} : memref<2x128x128xf32, #tpu.memory_space<vmem>>, vector<16xf32>,
      tpu.vector_store %arg6[%swap3A_161, %swap3A_162, %swap3A_163], %broadcast_in_dim3A_5 {strides = array<i32>} : memref<2x128x128xf32, #tpu.memory_space<vmem>>, vector<16xf32>,
      %swap3A_165 = arith.constant 0 : i32
      %swap3A_166 = arith.index_cast %swap3A_165 : i32 to index
      %swap3A_167 = arith.index_cast %scan3A_140 : i32 to index
      %swap3A_168 = arith.constant 80 : index
      %swap3A_169 = tpu.vector_load %arg6[%swap3A_166, %swap3A_167, %swap3A_168] {strides = array<i32>} : memref<2x128x128xf32, #tpu.memory_space<vmem>>, vector<16xf32>,
      tpu.vector_store %arg6[%swap3A_166, %swap3A_167, %swap3A_168], %broadcast_in_dim3A_5 {strides = array<i32>} : memref<2x128x128xf32, #tpu.memory_space<vmem>>, vector<16xf32>,
      %swap3A_170 = arith.constant 0 : i32
      %swap3A_171 = arith.index_cast %swap3A_170 : i32 to index
      %swap3A_172 = arith.index_cast %scan3A_140 : i32 to index
      %swap3A_173 = arith.constant 96 : index
      %swap3A_174 = tpu.vector_load %arg6[%swap3A_171, %swap3A_172, %swap3A_173] {strides = array<i32>} : memref<2x128x128xf32, #tpu.memory_space<vmem>>, vector<16xf32>,
      tpu.vector_store %arg6[%swap3A_171, %swap3A_172, %swap3A_173], %broadcast_in_dim3A_5 {strides = array<i32>} : memref<2x128x128xf32, #tpu.memory_space<vmem>>, vector<16xf32>,
      %swap3A_175 = arith.constant 0 : i32
      %swap3A_176 = arith.index_cast %swap3A_175 : i32 to index
      %swap3A_177 = arith.index_cast %scan3A_140 : i32 to index
      %swap3A_178 = arith.constant 112 : index
      %swap3A_179 = tpu.vector_load %arg6[%swap3A_176, %swap3A_177, %swap3A_178] {strides = array<i32>} : memref<2x128x128xf32, #tpu.memory_space<vmem>>, vector<16xf32>,
      tpu.vector_store %arg6[%swap3A_176, %swap3A_177, %swap3A_178], %broadcast_in_dim3A_5 {strides = array<i32>} : memref<2x128x128xf32, #tpu.memory_space<vmem>>, vector<16xf32>,
    }
    %scan3A_12 = arith.constant 128 : i32
    %scan3A_13 = arith.constant 0 : i32
    %scan3A_14 = arith.constant 0 : i32
    %scan3A_15 = arith.constant 625 : i32
    %scan3A_16 = arith.addi %scan3A_14, %scan3A_15 : i32
    %scan3A_17 = arith.constant 1 : i32
    scf.for %scan3A_140 = %scan3A_14 to %scan3A_16 step %scan3A_17  : i32 {
      %mul3A_141 = arith.constant 16 : i32
      %mul3A_142 = arith.muli %scan3A_140, %mul3A_141 : i32
      %swap3A = arith.index_cast %mul3A_142 : i32 to index
      %swap3A_143 = tpu.vector_load %arg9[%swap3A] {strides = array<i32>} : memref<10000xf32, #tpu.memory_space<vmem>>, vector<16xf32>,
      tpu.vector_store %arg9[%swap3A], %broadcast_in_dim3A_5 {strides = array<i32>} : memref<10000xf32, #tpu.memory_space<vmem>>, vector<16xf32>,
    }
    %scan3A_18 = arith.constant 625 : i32
    %add3A = arith.constant 0 : i32
    %add3A_19 = arith.addi %mul3A_4, %add3A : i32
    %run_scoped3A = arith.constant 0 : i32
    "tpu.region"() ({
      %run_scoped3A_140 = tpu.sem_alloc : memref<!tpu.dma_semaphore, #tpu.memory_space<semaphore_mem>>
      %dma_start3A_141 = arith.constant 0 : i32
      %dma_start3A_142 = arith.constant 0 : i32
      %dma_start3A_143 = tpu.memref_slice %arg6[%run_scoped3A, %dma_start3A_141, %dma_start3A_142] : memref<2x128x128xf32, #tpu.memory_space<vmem>> -> memref<1x128x128xf32, #tpu.memory_space<vmem>>
      %dma_start3A_144 = tpu.memref_squeeze %dma_start3A_143 : memref<1x128x128xf32, #tpu.memory_space<vmem>> -> memref<128x128xf32, #tpu.memory_space<vmem>>
      %dma_start3A_145 = arith.constant 0 : i32
      %dma_start3A_146 = tpu.memref_slice %arg10[%add3A_19, %dma_start3A_145] : memref<10000x128xf32, #tpu.memory_space<vmem_shared>> -> memref<128x128xf32, #tpu.memory_space<vmem_shared>>
      %dma_start3A_147 = arith.constant 0 : i32
      %dma_start3A_148 = tpu.memref_slice %arg10[%add3A_19, %dma_start3A_147] : memref<10000x128xf32, #tpu.memory_space<vmem_shared>> -> memref<128x128xf32, #tpu.memory_space<vmem_shared>>
      %dma_start3A_149 = arith.constant 0 : i32
      %dma_start3A_150 = arith.constant 0 : i32
      %dma_start3A_151 = tpu.memref_slice %arg6[%run_scoped3A, %dma_start3A_149, %dma_start3A_150] : memref<2x128x128xf32, #tpu.memory_space<vmem>> -> memref<1x128x128xf32, #tpu.memory_space<vmem>>
      %dma_start3A_152 = tpu.memref_squeeze %dma_start3A_151 : memref<1x128x128xf32, #tpu.memory_space<vmem>> -> memref<128x128xf32, #tpu.memory_space<vmem>>
      tpu.enqueue_dma source(%dma_start3A_152 : memref<128x128xf32, #tpu.memory_space<vmem>>) target(%dma_start3A_148 : memref<128x128xf32, #tpu.memory_space<vmem_shared>>) target_semaphore(%run_scoped3A_140 : memref<!tpu.dma_semaphore, #tpu.memory_space<semaphore_mem>>)
      %dma_wait3A_153 = arith.constant 0 : i32
      %dma_wait3A_154 = arith.constant 0 : i32
      %dma_wait3A_155 = tpu.memref_slice %arg6[%run_scoped3A, %dma_wait3A_153, %dma_wait3A_154] : memref<2x128x128xf32, #tpu.memory_space<vmem>> -> memref<1x128x128xf32, #tpu.memory_space<vmem>>
      %dma_wait3A_156 = tpu.memref_squeeze %dma_wait3A_155 : memref<1x128x128xf32, #tpu.memory_space<vmem>> -> memref<128x128xf32, #tpu.memory_space<vmem>>
      %dma_wait3A_157 = arith.constant 0 : i32
      %dma_wait3A_158 = tpu.memref_slice %arg10[%add3A_19, %dma_wait3A_157] : memref<10000x128xf32, #tpu.memory_space<vmem_shared>> -> memref<128x128xf32, #tpu.memory_space<vmem_shared>>
      %dma_wait3A_159 = arith.constant 0 : i32
      %dma_wait3A_160 = tpu.memref_slice %arg10[%add3A_19, %dma_wait3A_159] : memref<10000x128xf32, #tpu.memory_space<vmem_shared>> -> memref<128x128xf32, #tpu.memory_space<vmem_shared>>
      %dma_wait3A_161 = arith.constant 0 : i32
      %dma_wait3A_162 = arith.constant 0 : i32
      %dma_wait3A_163 = tpu.memref_slice %arg6[%run_scoped3A, %dma_wait3A_161, %dma_wait3A_162] : memref<2x128x128xf32, #tpu.memory_space<vmem>> -> memref<1x128x128xf32, #tpu.memory_space<vmem>>
      %dma_wait3A_164 = tpu.memref_squeeze %dma_wait3A_163 : memref<1x128x128xf32, #tpu.memory_space<vmem>> -> memref<128x128xf32, #tpu.memory_space<vmem>>
      tpu.wait_dma2 semaphore(%run_scoped3A_140 : memref<!tpu.dma_semaphore, #tpu.memory_space<semaphore_mem>>) src(%dma_wait3A_164 : memref<128x128xf32, #tpu.memory_space<vmem>>) dst(%dma_wait3A_160 : memref<128x128xf32, #tpu.memory_space<vmem_shared>>)
      tpu.yield
    }) : () -> ()
    %add3A_20 = arith.constant 128 : i32
    %add3A_21 = arith.addi %mul3A_4, %add3A_20 : i32
    %run_scoped3A_22 = arith.constant 0 : i32
    "tpu.region"() ({
      %run_scoped3A_140 = tpu.sem_alloc : memref<!tpu.dma_semaphore, #tpu.memory_space<semaphore_mem>>
      %dma_start3A_141 = arith.constant 0 : i32
      %dma_start3A_142 = arith.constant 0 : i32
      %dma_start3A_143 = tpu.memref_slice %arg6[%run_scoped3A_22, %dma_start3A_141, %dma_start3A_142] : memref<2x128x128xf32, #tpu.memory_space<vmem>> -> memref<1x128x128xf32, #tpu.memory_space<vmem>>
      %dma_start3A_144 = tpu.memref_squeeze %dma_start3A_143 : memref<1x128x128xf32, #tpu.memory_space<vmem>> -> memref<128x128xf32, #tpu.memory_space<vmem>>
      %dma_start3A_145 = arith.constant 0 : i32
      %dma_start3A_146 = tpu.memref_slice %arg10[%add3A_21, %dma_start3A_145] : memref<10000x128xf32, #tpu.memory_space<vmem_shared>> -> memref<128x128xf32, #tpu.memory_space<vmem_shared>>
      %dma_start3A_147 = arith.constant 0 : i32
      %dma_start3A_148 = tpu.memref_slice %arg10[%add3A_21, %dma_start3A_147] : memref<10000x128xf32, #tpu.memory_space<vmem_shared>> -> memref<128x128xf32, #tpu.memory_space<vmem_shared>>
      %dma_start3A_149 = arith.constant 0 : i32
      %dma_start3A_150 = arith.constant 0 : i32
      %dma_start3A_151 = tpu.memref_slice %arg6[%run_scoped3A_22, %dma_start3A_149, %dma_start3A_150] : memref<2x128x128xf32, #tpu.memory_space<vmem>> -> memref<1x128x128xf32, #tpu.memory_space<vmem>>
      %dma_start3A_152 = tpu.memref_squeeze %dma_start3A_151 : memref<1x128x128xf32, #tpu.memory_space<vmem>> -> memref<128x128xf32, #tpu.memory_space<vmem>>
      tpu.enqueue_dma source(%dma_start3A_152 : memref<128x128xf32, #tpu.memory_space<vmem>>) target(%dma_start3A_148 : memref<128x128xf32, #tpu.memory_space<vmem_shared>>) target_semaphore(%run_scoped3A_140 : memref<!tpu.dma_semaphore, #tpu.memory_space<semaphore_mem>>)
      %dma_wait3A_153 = arith.constant 0 : i32
      %dma_wait3A_154 = arith.constant 0 : i32
      %dma_wait3A_155 = tpu.memref_slice %arg6[%run_scoped3A_22, %dma_wait3A_153, %dma_wait3A_154] : memref<2x128x128xf32, #tpu.memory_space<vmem>> -> memref<1x128x128xf32, #tpu.memory_space<vmem>>
      %dma_wait3A_156 = tpu.memref_squeeze %dma_wait3A_155 : memref<1x128x128xf32, #tpu.memory_space<vmem>> -> memref<128x128xf32, #tpu.memory_space<vmem>>
      %dma_wait3A_157 = arith.constant 0 : i32
      %dma_wait3A_158 = tpu.memref_slice %arg10[%add3A_21, %dma_wait3A_157] : memref<10000x128xf32, #tpu.memory_space<vmem_shared>> -> memref<128x128xf32, #tpu.memory_space<vmem_shared>>
      %dma_wait3A_159 = arith.constant 0 : i32
      %dma_wait3A_160 = tpu.memref_slice %arg10[%add3A_21, %dma_wait3A_159] : memref<10000x128xf32, #tpu.memory_space<vmem_shared>> -> memref<128x128xf32, #tpu.memory_space<vmem_shared>>
      %dma_wait3A_161 = arith.constant 0 : i32
      %dma_wait3A_162 = arith.constant 0 : i32
      %dma_wait3A_163 = tpu.memref_slice %arg6[%run_scoped3A_22, %dma_wait3A_161, %dma_wait3A_162] : memref<2x128x128xf32, #tpu.memory_space<vmem>> -> memref<1x128x128xf32, #tpu.memory_space<vmem>>
      %dma_wait3A_164 = tpu.memref_squeeze %dma_wait3A_163 : memref<1x128x128xf32, #tpu.memory_space<vmem>> -> memref<128x128xf32, #tpu.memory_space<vmem>>
      tpu.wait_dma2 semaphore(%run_scoped3A_140 : memref<!tpu.dma_semaphore, #tpu.memory_space<semaphore_mem>>) src(%dma_wait3A_164 : memref<128x128xf32, #tpu.memory_space<vmem>>) dst(%dma_wait3A_160 : memref<128x128xf32, #tpu.memory_space<vmem_shared>>)
      tpu.yield
    }) : () -> ()
    %add3A_23 = arith.constant 256 : i32
    %add3A_24 = arith.addi %mul3A_4, %add3A_23 : i32
    %run_scoped3A_25 = arith.constant 0 : i32
    "tpu.region"() ({
      %run_scoped3A_140 = tpu.sem_alloc : memref<!tpu.dma_semaphore, #tpu.memory_space<semaphore_mem>>
      %dma_start3A_141 = arith.constant 0 : i32
      %dma_start3A_142 = arith.constant 0 : i32
      %dma_start3A_143 = tpu.memref_slice %arg6[%run_scoped3A_25, %dma_start3A_141, %dma_start3A_142] : memref<2x128x128xf32, #tpu.memory_space<vmem>> -> memref<1x128x128xf32, #tpu.memory_space<vmem>>
      %dma_start3A_144 = tpu.memref_squeeze %dma_start3A_143 : memref<1x128x128xf32, #tpu.memory_space<vmem>> -> memref<128x128xf32, #tpu.memory_space<vmem>>
      %dma_start3A_145 = arith.constant 0 : i32
      %dma_start3A_146 = tpu.memref_slice %arg10[%add3A_24, %dma_start3A_145] : memref<10000x128xf32, #tpu.memory_space<vmem_shared>> -> memref<128x128xf32, #tpu.memory_space<vmem_shared>>
      %dma_start3A_147 = arith.constant 0 : i32
      %dma_start3A_148 = tpu.memref_slice %arg10[%add3A_24, %dma_start3A_147] : memref<10000x128xf32, #tpu.memory_space<vmem_shared>> -> memref<128x128xf32, #tpu.memory_space<vmem_shared>>
      %dma_start3A_149 = arith.constant 0 : i32
      %dma_start3A_150 = arith.constant 0 : i32
      %dma_start3A_151 = tpu.memref_slice %arg6[%run_scoped3A_25, %dma_start3A_149, %dma_start3A_150] : memref<2x128x128xf32, #tpu.memory_space<vmem>> -> memref<1x128x128xf32, #tpu.memory_space<vmem>>
      %dma_start3A_152 = tpu.memref_squeeze %dma_start3A_151 : memref<1x128x128xf32, #tpu.memory_space<vmem>> -> memref<128x128xf32, #tpu.memory_space<vmem>>
      tpu.enqueue_dma source(%dma_start3A_152 : memref<128x128xf32, #tpu.memory_space<vmem>>) target(%dma_start3A_148 : memref<128x128xf32, #tpu.memory_space<vmem_shared>>) target_semaphore(%run_scoped3A_140 : memref<!tpu.dma_semaphore, #tpu.memory_space<semaphore_mem>>)
      %dma_wait3A_153 = arith.constant 0 : i32
      %dma_wait3A_154 = arith.constant 0 : i32
      %dma_wait3A_155 = tpu.memref_slice %arg6[%run_scoped3A_25, %dma_wait3A_153, %dma_wait3A_154] : memref<2x128x128xf32, #tpu.memory_space<vmem>> -> memref<1x128x128xf32, #tpu.memory_space<vmem>>
      %dma_wait3A_156 = tpu.memref_squeeze %dma_wait3A_155 : memref<1x128x128xf32, #tpu.memory_space<vmem>> -> memref<128x128xf32, #tpu.memory_space<vmem>>
      %dma_wait3A_157 = arith.constant 0 : i32
      %dma_wait3A_158 = tpu.memref_slice %arg10[%add3A_24, %dma_wait3A_157] : memref<10000x128xf32, #tpu.memory_space<vmem_shared>> -> memref<128x128xf32, #tpu.memory_space<vmem_shared>>
      %dma_wait3A_159 = arith.constant 0 : i32
      %dma_wait3A_160 = tpu.memref_slice %arg10[%add3A_24, %dma_wait3A_159] : memref<10000x128xf32, #tpu.memory_space<vmem_shared>> -> memref<128x128xf32, #tpu.memory_space<vmem_shared>>
      %dma_wait3A_161 = arith.constant 0 : i32
      %dma_wait3A_162 = arith.constant 0 : i32
      %dma_wait3A_163 = tpu.memref_slice %arg6[%run_scoped3A_25, %dma_wait3A_161, %dma_wait3A_162] : memref<2x128x128xf32, #tpu.memory_space<vmem>> -> memref<1x128x128xf32, #tpu.memory_space<vmem>>
      %dma_wait3A_164 = tpu.memref_squeeze %dma_wait3A_163 : memref<1x128x128xf32, #tpu.memory_space<vmem>> -> memref<128x128xf32, #tpu.memory_space<vmem>>
      tpu.wait_dma2 semaphore(%run_scoped3A_140 : memref<!tpu.dma_semaphore, #tpu.memory_space<semaphore_mem>>) src(%dma_wait3A_164 : memref<128x128xf32, #tpu.memory_space<vmem>>) dst(%dma_wait3A_160 : memref<128x128xf32, #tpu.memory_space<vmem_shared>>)
      tpu.yield
    }) : () -> ()
    %add3A_26 = arith.constant 384 : i32
    %add3A_27 = arith.addi %mul3A_4, %add3A_26 : i32
    %run_scoped3A_28 = arith.constant 0 : i32
    "tpu.region"() ({
      %run_scoped3A_140 = tpu.sem_alloc : memref<!tpu.dma_semaphore, #tpu.memory_space<semaphore_mem>>
      %dma_start3A_141 = arith.constant 0 : i32
      %dma_start3A_142 = arith.constant 0 : i32
      %dma_start3A_143 = tpu.memref_slice %arg6[%run_scoped3A_28, %dma_start3A_141, %dma_start3A_142] : memref<2x128x128xf32, #tpu.memory_space<vmem>> -> memref<1x128x128xf32, #tpu.memory_space<vmem>>
      %dma_start3A_144 = tpu.memref_squeeze %dma_start3A_143 : memref<1x128x128xf32, #tpu.memory_space<vmem>> -> memref<128x128xf32, #tpu.memory_space<vmem>>
      %dma_start3A_145 = arith.constant 0 : i32
      %dma_start3A_146 = tpu.memref_slice %arg10[%add3A_27, %dma_start3A_145] : memref<10000x128xf32, #tpu.memory_space<vmem_shared>> -> memref<128x128xf32, #tpu.memory_space<vmem_shared>>
      %dma_start3A_147 = arith.constant 0 : i32
      %dma_start3A_148 = tpu.memref_slice %arg10[%add3A_27, %dma_start3A_147] : memref<10000x128xf32, #tpu.memory_space<vmem_shared>> -> memref<128x128xf32, #tpu.memory_space<vmem_shared>>
      %dma_start3A_149 = arith.constant 0 : i32
      %dma_start3A_150 = arith.constant 0 : i32
      %dma_start3A_151 = tpu.memref_slice %arg6[%run_scoped3A_28, %dma_start3A_149, %dma_start3A_150] : memref<2x128x128xf32, #tpu.memory_space<vmem>> -> memref<1x128x128xf32, #tpu.memory_space<vmem>>
      %dma_start3A_152 = tpu.memref_squeeze %dma_start3A_151 : memref<1x128x128xf32, #tpu.memory_space<vmem>> -> memref<128x128xf32, #tpu.memory_space<vmem>>
      tpu.enqueue_dma source(%dma_start3A_152 : memref<128x128xf32, #tpu.memory_space<vmem>>) target(%dma_start3A_148 : memref<128x128xf32, #tpu.memory_space<vmem_shared>>) target_semaphore(%run_scoped3A_140 : memref<!tpu.dma_semaphore, #tpu.memory_space<semaphore_mem>>)
      %dma_wait3A_153 = arith.constant 0 : i32
      %dma_wait3A_154 = arith.constant 0 : i32
      %dma_wait3A_155 = tpu.memref_slice %arg6[%run_scoped3A_28, %dma_wait3A_153, %dma_wait3A_154] : memref<2x128x128xf32, #tpu.memory_space<vmem>> -> memref<1x128x128xf32, #tpu.memory_space<vmem>>
      %dma_wait3A_156 = tpu.memref_squeeze %dma_wait3A_155 : memref<1x128x128xf32, #tpu.memory_space<vmem>> -> memref<128x128xf32, #tpu.memory_space<vmem>>
      %dma_wait3A_157 = arith.constant 0 : i32
      %dma_wait3A_158 = tpu.memref_slice %arg10[%add3A_27, %dma_wait3A_157] : memref<10000x128xf32, #tpu.memory_space<vmem_shared>> -> memref<128x128xf32, #tpu.memory_space<vmem_shared>>
      %dma_wait3A_159 = arith.constant 0 : i32
      %dma_wait3A_160 = tpu.memref_slice %arg10[%add3A_27, %dma_wait3A_159] : memref<10000x128xf32, #tpu.memory_space<vmem_shared>> -> memref<128x128xf32, #tpu.memory_space<vmem_shared>>
      %dma_wait3A_161 = arith.constant 0 : i32
      %dma_wait3A_162 = arith.constant 0 : i32
      %dma_wait3A_163 = tpu.memref_slice %arg6[%run_scoped3A_28, %dma_wait3A_161, %dma_wait3A_162] : memref<2x128x128xf32, #tpu.memory_space<vmem>> -> memref<1x128x128xf32, #tpu.memory_space<vmem>>
      %dma_wait3A_164 = tpu.memref_squeeze %dma_wait3A_163 : memref<1x128x128xf32, #tpu.memory_space<vmem>> -> memref<128x128xf32, #tpu.memory_space<vmem>>
      tpu.wait_dma2 semaphore(%run_scoped3A_140 : memref<!tpu.dma_semaphore, #tpu.memory_space<semaphore_mem>>) src(%dma_wait3A_164 : memref<128x128xf32, #tpu.memory_space<vmem>>) dst(%dma_wait3A_160 : memref<128x128xf32, #tpu.memory_space<vmem_shared>>)
      tpu.yield
    }) : () -> ()
    %add3A_29 = arith.constant 512 : i32
    %add3A_30 = arith.addi %mul3A_4, %add3A_29 : i32
    %run_scoped3A_31 = arith.constant 0 : i32
    "tpu.region"() ({
      %run_scoped3A_140 = tpu.sem_alloc : memref<!tpu.dma_semaphore, #tpu.memory_space<semaphore_mem>>
      %dma_start3A_141 = arith.constant 0 : i32
      %dma_start3A_142 = arith.constant 0 : i32
      %dma_start3A_143 = tpu.memref_slice %arg6[%run_scoped3A_31, %dma_start3A_141, %dma_start3A_142] : memref<2x128x128xf32, #tpu.memory_space<vmem>> -> memref<1x112x128xf32, #tpu.memory_space<vmem>>
      %dma_start3A_144 = tpu.memref_squeeze %dma_start3A_143 : memref<1x112x128xf32, #tpu.memory_space<vmem>> -> memref<112x128xf32, #tpu.memory_space<vmem>>
      %dma_start3A_145 = arith.constant 0 : i32
      %dma_start3A_146 = tpu.memref_slice %arg10[%add3A_30, %dma_start3A_145] : memref<10000x128xf32, #tpu.memory_space<vmem_shared>> -> memref<112x128xf32, #tpu.memory_space<vmem_shared>>
      %dma_start3A_147 = arith.constant 0 : i32
      %dma_start3A_148 = tpu.memref_slice %arg10[%add3A_30, %dma_start3A_147] : memref<10000x128xf32, #tpu.memory_space<vmem_shared>> -> memref<112x128xf32, #tpu.memory_space<vmem_shared>>
      %dma_start3A_149 = arith.constant 0 : i32
      %dma_start3A_150 = arith.constant 0 : i32
      %dma_start3A_151 = tpu.memref_slice %arg6[%run_scoped3A_31, %dma_start3A_149, %dma_start3A_150] : memref<2x128x128xf32, #tpu.memory_space<vmem>> -> memref<1x112x128xf32, #tpu.memory_space<vmem>>
      %dma_start3A_152 = tpu.memref_squeeze %dma_start3A_151 : memref<1x112x128xf32, #tpu.memory_space<vmem>> -> memref<112x128xf32, #tpu.memory_space<vmem>>
      tpu.enqueue_dma source(%dma_start3A_152 : memref<112x128xf32, #tpu.memory_space<vmem>>) target(%dma_start3A_148 : memref<112x128xf32, #tpu.memory_space<vmem_shared>>) target_semaphore(%run_scoped3A_140 : memref<!tpu.dma_semaphore, #tpu.memory_space<semaphore_mem>>)
      %dma_wait3A_153 = arith.constant 0 : i32
      %dma_wait3A_154 = arith.constant 0 : i32
      %dma_wait3A_155 = tpu.memref_slice %arg6[%run_scoped3A_31, %dma_wait3A_153, %dma_wait3A_154] : memref<2x128x128xf32, #tpu.memory_space<vmem>> -> memref<1x112x128xf32, #tpu.memory_space<vmem>>
      %dma_wait3A_156 = tpu.memref_squeeze %dma_wait3A_155 : memref<1x112x128xf32, #tpu.memory_space<vmem>> -> memref<112x128xf32, #tpu.memory_space<vmem>>
      %dma_wait3A_157 = arith.constant 0 : i32
      %dma_wait3A_158 = tpu.memref_slice %arg10[%add3A_30, %dma_wait3A_157] : memref<10000x128xf32, #tpu.memory_space<vmem_shared>> -> memref<112x128xf32, #tpu.memory_space<vmem_shared>>
      %dma_wait3A_159 = arith.constant 0 : i32
      %dma_wait3A_160 = tpu.memref_slice %arg10[%add3A_30, %dma_wait3A_159] : memref<10000x128xf32, #tpu.memory_space<vmem_shared>> -> memref<112x128xf32, #tpu.memory_space<vmem_shared>>
      %dma_wait3A_161 = arith.constant 0 : i32
      %dma_wait3A_162 = arith.constant 0 : i32
      %dma_wait3A_163 = tpu.memref_slice %arg6[%run_scoped3A_31, %dma_wait3A_161, %dma_wait3A_162] : memref<2x128x128xf32, #tpu.memory_space<vmem>> -> memref<1x112x128xf32, #tpu.memory_space<vmem>>
      %dma_wait3A_164 = tpu.memref_squeeze %dma_wait3A_163 : memref<1x112x128xf32, #tpu.memory_space<vmem>> -> memref<112x128xf32, #tpu.memory_space<vmem>>
      tpu.wait_dma2 semaphore(%run_scoped3A_140 : memref<!tpu.dma_semaphore, #tpu.memory_space<semaphore_mem>>) src(%dma_wait3A_164 : memref<112x128xf32, #tpu.memory_space<vmem>>) dst(%dma_wait3A_160 : memref<112x128xf32, #tpu.memory_space<vmem_shared>>)
      tpu.yield
    }) : () -> ()
    %eq3A = arith.constant 15 : i32
    %eq3A_32 = arith.cmpi eq, %arg1, %eq3A : i32
    %convert_element_type3A = arith.extui %eq3A_32 : i1 to i32
    %cond3A = arith.constant 0 : i32
    %cond3A_33 = arith.cmpi ne, %convert_element_type3A, %cond3A : i32
    scf.if %cond3A_33 {
      %run_scoped3A_140 = arith.constant 0 : i32
      "tpu.region"() ({
        %run_scoped3A_141 = tpu.sem_alloc : memref<!tpu.dma_semaphore, #tpu.memory_space<semaphore_mem>>
        %dma_start3A_142 = arith.constant 0 : i32
        %dma_start3A_143 = arith.constant 0 : i32
        %dma_start3A_144 = tpu.memref_slice %arg6[%run_scoped3A_140, %dma_start3A_142, %dma_start3A_143] : memref<2x128x128xf32, #tpu.memory_space<vmem>> -> memref<1x16x128xf32, #tpu.memory_space<vmem>>
        %dma_start3A_145 = tpu.memref_squeeze %dma_start3A_144 : memref<1x16x128xf32, #tpu.memory_space<vmem>> -> memref<16x128xf32, #tpu.memory_space<vmem>>
        %dma_start3A_146 = arith.constant 9984 : i32
        %dma_start3A_147 = arith.constant 0 : i32
        %dma_start3A_148 = tpu.memref_slice %arg10[%dma_start3A_146, %dma_start3A_147] : memref<10000x128xf32, #tpu.memory_space<vmem_shared>> -> memref<16x128xf32, #tpu.memory_space<vmem_shared>>
        %dma_start3A_149 = arith.constant 9984 : i32
        %dma_start3A_150 = arith.constant 0 : i32
        %dma_start3A_151 = tpu.memref_slice %arg10[%dma_start3A_149, %dma_start3A_150] : memref<10000x128xf32, #tpu.memory_space<vmem_shared>> -> memref<16x128xf32, #tpu.memory_space<vmem_shared>>
        %dma_start3A_152 = arith.constant 0 : i32
        %dma_start3A_153 = arith.constant 0 : i32
        %dma_start3A_154 = tpu.memref_slice %arg6[%run_scoped3A_140, %dma_start3A_152, %dma_start3A_153] : memref<2x128x128xf32, #tpu.memory_space<vmem>> -> memref<1x16x128xf32, #tpu.memory_space<vmem>>
        %dma_start3A_155 = tpu.memref_squeeze %dma_start3A_154 : memref<1x16x128xf32, #tpu.memory_space<vmem>> -> memref<16x128xf32, #tpu.memory_space<vmem>>
        tpu.enqueue_dma source(%dma_start3A_155 : memref<16x128xf32, #tpu.memory_space<vmem>>) target(%dma_start3A_151 : memref<16x128xf32, #tpu.memory_space<vmem_shared>>) target_semaphore(%run_scoped3A_141 : memref<!tpu.dma_semaphore, #tpu.memory_space<semaphore_mem>>)
        %dma_wait3A_156 = arith.constant 0 : i32
        %dma_wait3A_157 = arith.constant 0 : i32
        %dma_wait3A_158 = tpu.memref_slice %arg6[%run_scoped3A_140, %dma_wait3A_156, %dma_wait3A_157] : memref<2x128x128xf32, #tpu.memory_space<vmem>> -> memref<1x16x128xf32, #tpu.memory_space<vmem>>
        %dma_wait3A_159 = tpu.memref_squeeze %dma_wait3A_158 : memref<1x16x128xf32, #tpu.memory_space<vmem>> -> memref<16x128xf32, #tpu.memory_space<vmem>>
        %dma_wait3A_160 = arith.constant 9984 : i32
        %dma_wait3A_161 = arith.constant 0 : i32
        %dma_wait3A_162 = tpu.memref_slice %arg10[%dma_wait3A_160, %dma_wait3A_161] : memref<10000x128xf32, #tpu.memory_space<vmem_shared>> -> memref<16x128xf32, #tpu.memory_space<vmem_shared>>
        %dma_wait3A_163 = arith.constant 9984 : i32
        %dma_wait3A_164 = arith.constant 0 : i32
        %dma_wait3A_165 = tpu.memref_slice %arg10[%dma_wait3A_163, %dma_wait3A_164] : memref<10000x128xf32, #tpu.memory_space<vmem_shared>> -> memref<16x128xf32, #tpu.memory_space<vmem_shared>>
        %dma_wait3A_166 = arith.constant 0 : i32
        %dma_wait3A_167 = arith.constant 0 : i32
        %dma_wait3A_168 = tpu.memref_slice %arg6[%run_scoped3A_140, %dma_wait3A_166, %dma_wait3A_167] : memref<2x128x128xf32, #tpu.memory_space<vmem>> -> memref<1x16x128xf32, #tpu.memory_space<vmem>>
        %dma_wait3A_169 = tpu.memref_squeeze %dma_wait3A_168 : memref<1x16x128xf32, #tpu.memory_space<vmem>> -> memref<16x128xf32, #tpu.memory_space<vmem>>
        tpu.wait_dma2 semaphore(%run_scoped3A_141 : memref<!tpu.dma_semaphore, #tpu.memory_space<semaphore_mem>>) src(%dma_wait3A_169 : memref<16x128xf32, #tpu.memory_space<vmem>>) dst(%dma_wait3A_165 : memref<16x128xf32, #tpu.memory_space<vmem_shared>>)
        tpu.yield
      }) : () -> ()
    } else {
    }
    %add3A_34 = arith.constant 0 : i32
    %add3A_35 = arith.addi %mul3A_2, %add3A_34 : i32
    %dma_start3A = arith.constant 0 : i32
    %dma_start3A_36 = arith.constant 0 : i32
    %dma_start3A_37 = tpu.memref_slice %arg7[%dma_start3A, %dma_start3A_36] : memref<2x128xi32, #tpu.memory_space<vmem>> -> memref<1x128xi32, #tpu.memory_space<vmem>>
    %dma_start3A_38 = tpu.memref_squeeze %dma_start3A_37 : memref<1x128xi32, #tpu.memory_space<vmem>> -> memref<128xi32, #tpu.memory_space<vmem>>
    %dma_start3A_39 = tpu.memref_slice %arg3[%add3A_35] : memref<160000xi32, #tpu.memory_space<hbm>> -> memref<128xi32, #tpu.memory_space<hbm>>
    %dma_start3A_40 = arith.constant 0 : i32
    %dma_start3A_41 = tpu.memref_slice %arg7[%dma_start3A, %dma_start3A_40] : memref<2x128xi32, #tpu.memory_space<vmem>> -> memref<1x128xi32, #tpu.memory_space<vmem>>
    %dma_start3A_42 = tpu.memref_squeeze %dma_start3A_41 : memref<1x128xi32, #tpu.memory_space<vmem>> -> memref<128xi32, #tpu.memory_space<vmem>>
    %dma_start3A_43 = tpu.memref_slice %arg3[%add3A_35] : memref<160000xi32, #tpu.memory_space<hbm>> -> memref<128xi32, #tpu.memory_space<hbm>>
    tpu.enqueue_dma source(%dma_start3A_43 : memref<128xi32, #tpu.memory_space<hbm>>) target(%dma_start3A_42 : memref<128xi32, #tpu.memory_space<vmem>>) target_semaphore(%arg13 : memref<!tpu.dma_semaphore, #tpu.memory_space<semaphore_mem>>)
    %dma_start3A_44 = arith.constant 0 : i32
    %dma_start3A_45 = arith.constant 0 : i32
    %dma_start3A_46 = arith.constant 0 : i32
    %dma_start3A_47 = tpu.memref_slice %arg6[%dma_start3A_44, %dma_start3A_45, %dma_start3A_46] : memref<2x128x128xf32, #tpu.memory_space<vmem>> -> memref<1x128x128xf32, #tpu.memory_space<vmem>>
    %dma_start3A_48 = tpu.memref_squeeze %dma_start3A_47 : memref<1x128x128xf32, #tpu.memory_space<vmem>> -> memref<128x128xf32, #tpu.memory_space<vmem>>
    %dma_start3A_49 = tpu.memref_slice %arg2[%add3A_35, %mul3A_0] : memref<160000x256xf32, #tpu.memory_space<hbm>> -> memref<128x128xf32, #tpu.memory_space<hbm>>
    %dma_start3A_50 = arith.constant 0 : i32
    %dma_start3A_51 = arith.constant 0 : i32
    %dma_start3A_52 = tpu.memref_slice %arg6[%dma_start3A_44, %dma_start3A_50, %dma_start3A_51] : memref<2x128x128xf32, #tpu.memory_space<vmem>> -> memref<1x128x128xf32, #tpu.memory_space<vmem>>
    %dma_start3A_53 = tpu.memref_squeeze %dma_start3A_52 : memref<1x128x128xf32, #tpu.memory_space<vmem>> -> memref<128x128xf32, #tpu.memory_space<vmem>>
    %dma_start3A_54 = tpu.memref_slice %arg2[%add3A_35, %mul3A_0] : memref<160000x256xf32, #tpu.memory_space<hbm>> -> memref<128x128xf32, #tpu.memory_space<hbm>>
    tpu.enqueue_dma source(%dma_start3A_54 : memref<128x128xf32, #tpu.memory_space<hbm>>) target(%dma_start3A_53 : memref<128x128xf32, #tpu.memory_space<vmem>>) target_semaphore(%arg11 : memref<!tpu.dma_semaphore, #tpu.memory_space<semaphore_mem>>)
    %add3A_55 = arith.constant 128 : i32
    %add3A_56 = arith.addi %mul3A_2, %add3A_55 : i32
    %dma_start3A_57 = arith.constant 1 : i32
    %dma_start3A_58 = arith.constant 0 : i32
    %dma_start3A_59 = tpu.memref_slice %arg7[%dma_start3A_57, %dma_start3A_58] : memref<2x128xi32, #tpu.memory_space<vmem>> -> memref<1x128xi32, #tpu.memory_space<vmem>>
    %dma_start3A_60 = tpu.memref_squeeze %dma_start3A_59 : memref<1x128xi32, #tpu.memory_space<vmem>> -> memref<128xi32, #tpu.memory_space<vmem>>
    %dma_start3A_61 = tpu.memref_slice %arg3[%add3A_56] : memref<160000xi32, #tpu.memory_space<hbm>> -> memref<128xi32, #tpu.memory_space<hbm>>
    %dma_start3A_62 = arith.constant 0 : i32
    %dma_start3A_63 = tpu.memref_slice %arg7[%dma_start3A_57, %dma_start3A_62] : memref<2x128xi32, #tpu.memory_space<vmem>> -> memref<1x128xi32, #tpu.memory_space<vmem>>
    %dma_start3A_64 = tpu.memref_squeeze %dma_start3A_63 : memref<1x128xi32, #tpu.memory_space<vmem>> -> memref<128xi32, #tpu.memory_space<vmem>>
    %dma_start3A_65 = tpu.memref_slice %arg3[%add3A_56] : memref<160000xi32, #tpu.memory_space<hbm>> -> memref<128xi32, #tpu.memory_space<hbm>>
    tpu.enqueue_dma source(%dma_start3A_65 : memref<128xi32, #tpu.memory_space<hbm>>) target(%dma_start3A_64 : memref<128xi32, #tpu.memory_space<vmem>>) target_semaphore(%arg14 : memref<!tpu.dma_semaphore, #tpu.memory_space<semaphore_mem>>)
    %dma_start3A_66 = arith.constant 1 : i32
    %dma_start3A_67 = arith.constant 0 : i32
    %dma_start3A_68 = arith.constant 0 : i32
    %dma_start3A_69 = tpu.memref_slice %arg6[%dma_start3A_66, %dma_start3A_67, %dma_start3A_68] : memref<2x128x128xf32, #tpu.memory_space<vmem>> -> memref<1x128x128xf32, #tpu.memory_space<vmem>>
    %dma_start3A_70 = tpu.memref_squeeze %dma_start3A_69 : memref<1x128x128xf32, #tpu.memory_space<vmem>> -> memref<128x128xf32, #tpu.memory_space<vmem>>
    %dma_start3A_71 = tpu.memref_slice %arg2[%add3A_56, %mul3A_0] : memref<160000x256xf32, #tpu.memory_space<hbm>> -> memref<128x128xf32, #tpu.memory_space<hbm>>
    %dma_start3A_72 = arith.constant 0 : i32
    %dma_start3A_73 = arith.constant 0 : i32
    %dma_start3A_74 = tpu.memref_slice %arg6[%dma_start3A_66, %dma_start3A_72, %dma_start3A_73] : memref<2x128x128xf32, #tpu.memory_space<vmem>> -> memref<1x128x128xf32, #tpu.memory_space<vmem>>
    %dma_start3A_75 = tpu.memref_squeeze %dma_start3A_74 : memref<1x128x128xf32, #tpu.memory_space<vmem>> -> memref<128x128xf32, #tpu.memory_space<vmem>>
    %dma_start3A_76 = tpu.memref_slice %arg2[%add3A_56, %mul3A_0] : memref<160000x256xf32, #tpu.memory_space<hbm>> -> memref<128x128xf32, #tpu.memory_space<hbm>>
    tpu.enqueue_dma source(%dma_start3A_76 : memref<128x128xf32, #tpu.memory_space<hbm>>) target(%dma_start3A_75 : memref<128x128xf32, #tpu.memory_space<vmem>>) target_semaphore(%arg12 : memref<!tpu.dma_semaphore, #tpu.memory_space<semaphore_mem>>)
    %barrier3A = arith.constant 0 : index
    tpu.barrier barrier_id(%barrier3A)
    %scan3A_77 = arith.constant 0 : i32
    %scan3A_78 = arith.constant 0 : i32
    %scan3A_79 = arith.constant 39 : i32
    %scan3A_80 = arith.addi %scan3A_78, %scan3A_79 : i32
    %scan3A_81 = arith.constant 1 : i32
    scf.for %scan3A_140 = %scan3A_78 to %scan3A_80 step %scan3A_81  : i32 {
      %mul3A_141 = arith.constant 2 : i32
      %mul3A_142 = arith.muli %mul3A_141, %scan3A_140 : i32
      %add3A_143 = arith.constant 0 : i32
      %add3A_144 = arith.addi %mul3A_142, %add3A_143 : i32
      %dma_wait3A_145 = arith.constant 0 : i32
      %dma_wait3A_146 = arith.constant 0 : i32
      %dma_wait3A_147 = tpu.memref_slice %arg7[%dma_wait3A_145, %dma_wait3A_146] : memref<2x128xi32, #tpu.memory_space<vmem>> -> memref<1x128xi32, #tpu.memory_space<vmem>>
      %dma_wait3A_148 = tpu.memref_squeeze %dma_wait3A_147 : memref<1x128xi32, #tpu.memory_space<vmem>> -> memref<128xi32, #tpu.memory_space<vmem>>
      %dma_wait3A_149 = tpu.memref_slice %arg3[%mul3A_2] : memref<160000xi32, #tpu.memory_space<hbm>> -> memref<128xi32, #tpu.memory_space<hbm>>
      %dma_wait3A_150 = arith.constant 0 : i32
      %dma_wait3A_151 = tpu.memref_slice %arg7[%dma_wait3A_145, %dma_wait3A_150] : memref<2x128xi32, #tpu.memory_space<vmem>> -> memref<1x128xi32, #tpu.memory_space<vmem>>
      %dma_wait3A_152 = tpu.memref_squeeze %dma_wait3A_151 : memref<1x128xi32, #tpu.memory_space<vmem>> -> memref<128xi32, #tpu.memory_space<vmem>>
      %dma_wait3A_153 = tpu.memref_slice %arg3[%mul3A_2] : memref<160000xi32, #tpu.memory_space<hbm>> -> memref<128xi32, #tpu.memory_space<hbm>>
      tpu.wait_dma2 semaphore(%arg13 : memref<!tpu.dma_semaphore, #tpu.memory_space<semaphore_mem>>) src(%dma_wait3A_153 : memref<128xi32, #tpu.memory_space<hbm>>) dst(%dma_wait3A_152 : memref<128xi32, #tpu.memory_space<vmem>>)
      %dma_wait3A_154 = arith.constant 0 : i32
      %dma_wait3A_155 = arith.constant 0 : i32
      %dma_wait3A_156 = arith.constant 0 : i32
      %dma_wait3A_157 = tpu.memref_slice %arg6[%dma_wait3A_154, %dma_wait3A_155, %dma_wait3A_156] : memref<2x128x128xf32, #tpu.memory_space<vmem>> -> memref<1x128x128xf32, #tpu.memory_space<vmem>>
      %dma_wait3A_158 = tpu.memref_squeeze %dma_wait3A_157 : memref<1x128x128xf32, #tpu.memory_space<vmem>> -> memref<128x128xf32, #tpu.memory_space<vmem>>
      %dma_wait3A_159 = tpu.memref_slice %arg2[%mul3A_2, %mul3A_0] : memref<160000x256xf32, #tpu.memory_space<hbm>> -> memref<128x128xf32, #tpu.memory_space<hbm>>
      %dma_wait3A_160 = arith.constant 0 : i32
      %dma_wait3A_161 = arith.constant 0 : i32
      %dma_wait3A_162 = tpu.memref_slice %arg6[%dma_wait3A_154, %dma_wait3A_160, %dma_wait3A_161] : memref<2x128x128xf32, #tpu.memory_space<vmem>> -> memref<1x128x128xf32, #tpu.memory_space<vmem>>
      %dma_wait3A_163 = tpu.memref_squeeze %dma_wait3A_162 : memref<1x128x128xf32, #tpu.memory_space<vmem>> -> memref<128x128xf32, #tpu.memory_space<vmem>>
      %dma_wait3A_164 = tpu.memref_slice %arg2[%mul3A_2, %mul3A_0] : memref<160000x256xf32, #tpu.memory_space<hbm>> -> memref<128x128xf32, #tpu.memory_space<hbm>>
      tpu.wait_dma2 semaphore(%arg11 : memref<!tpu.dma_semaphore, #tpu.memory_space<semaphore_mem>>) src(%dma_wait3A_164 : memref<128x128xf32, #tpu.memory_space<hbm>>) dst(%dma_wait3A_163 : memref<128x128xf32, #tpu.memory_space<vmem>>)
      %run_scoped3A_165 = arith.constant 0 : i32
      %run_scoped3A_166 = arith.constant 0 : i32
      "tpu.region"() ({
        %run_scoped3A_265 = tpu.sem_alloc : memref<!tpu.dma_semaphore, #tpu.memory_space<semaphore_mem>>
        %dma_start3A_266 = arith.constant 0 : i32
        %dma_start3A_267 = arith.constant 0 : i32
        %dma_start3A_268 = tpu.memref_slice %arg6[%run_scoped3A_165, %dma_start3A_266, %dma_start3A_267] : memref<2x128x128xf32, #tpu.memory_space<vmem>> -> memref<1x128x128xf32, #tpu.memory_space<vmem>>
        %dma_start3A_269 = tpu.memref_squeeze %dma_start3A_268 : memref<1x128x128xf32, #tpu.memory_space<vmem>> -> memref<128x128xf32, #tpu.memory_space<vmem>>
        %dma_start3A_270 = arith.constant 0 : i32
        %dma_start3A_271 = tpu.memref_slice %arg7[%run_scoped3A_166, %dma_start3A_270] : memref<2x128xi32, #tpu.memory_space<vmem>> -> memref<1x128xi32, #tpu.memory_space<vmem>>
        %dma_start3A_272 = tpu.memref_squeeze %dma_start3A_271 : memref<1x128xi32, #tpu.memory_space<vmem>> -> memref<128xi32, #tpu.memory_space<vmem>>
        %dma_start3A_273 = arith.constant 0 : i32
        %dma_start3A_274 = arith.constant 0 : i32
        %dma_start3A_275 = tpu.memref_slice %arg10[%dma_start3A_273, %dma_start3A_274] : memref<10000x128xf32, #tpu.memory_space<vmem_shared>> -> memref<10000x128xf32, #tpu.memory_space<vmem_shared>>
        tpu.enqueue_indirect_dma source(%dma_start3A_269 : memref<128x128xf32, #tpu.memory_space<vmem>>) target(%dma_start3A_275 : memref<10000x128xf32, #tpu.memory_space<vmem_shared>>) offsets(%dma_start3A_272 : memref<128xi32, #tpu.memory_space<vmem>>) semaphore(%run_scoped3A_265 : memref<!tpu.dma_semaphore, #tpu.memory_space<semaphore_mem>>) {add = true}
        %dma_wait3A_276 = arith.constant 0 : i32
        %dma_wait3A_277 = arith.constant 0 : i32
        %dma_wait3A_278 = tpu.memref_slice %arg6[%run_scoped3A_165, %dma_wait3A_276, %dma_wait3A_277] : memref<2x128x128xf32, #tpu.memory_space<vmem>> -> memref<1x128x128xf32, #tpu.memory_space<vmem>>
        %dma_wait3A_279 = tpu.memref_squeeze %dma_wait3A_278 : memref<1x128x128xf32, #tpu.memory_space<vmem>> -> memref<128x128xf32, #tpu.memory_space<vmem>>
        %dma_wait3A_280 = arith.constant 0 : i32
        %dma_wait3A_281 = tpu.memref_slice %arg7[%run_scoped3A_166, %dma_wait3A_280] : memref<2x128xi32, #tpu.memory_space<vmem>> -> memref<1x128xi32, #tpu.memory_space<vmem>>
        %dma_wait3A_282 = tpu.memref_squeeze %dma_wait3A_281 : memref<1x128xi32, #tpu.memory_space<vmem>> -> memref<128xi32, #tpu.memory_space<vmem>>
        %dma_wait3A_283 = arith.constant 0 : i32
        %dma_wait3A_284 = arith.constant 0 : i32
        %dma_wait3A_285 = tpu.memref_slice %arg10[%dma_wait3A_283, %dma_wait3A_284] : memref<10000x128xf32, #tpu.memory_space<vmem_shared>> -> memref<10000x128xf32, #tpu.memory_space<vmem_shared>>
        tpu.wait_indirect_dma semaphore(%run_scoped3A_265 : memref<!tpu.dma_semaphore, #tpu.memory_space<semaphore_mem>>) src(%dma_wait3A_279 : memref<128x128xf32, #tpu.memory_space<vmem>>) dst(%dma_wait3A_285 : memref<10000x128xf32, #tpu.memory_space<vmem_shared>>)
        tpu.yield
      }) : () -> ()
      %lt3A = arith.constant 39 : i32
      %lt3A_167 = arith.cmpi slt, %add3A_144, %lt3A : i32
      %eq3A_168 = arith.constant 0 : i32
      %eq3A_169 = arith.cmpi eq, %arg0, %eq3A_168 : i32
      %eq3A_170 = arith.xori %lt3A_167, %eq3A_169 : i1
      %eq3A_171 = arith.constant true
      %eq3A_172 = arith.xori %eq3A_170, %eq3A_171 : i1
      %convert_element_type3A_173 = arith.extui %eq3A_172 : i1 to i32
      %cond3A_174 = arith.constant 0 : i32
      %cond3A_175 = arith.cmpi ne, %convert_element_type3A_173, %cond3A_174 : i32
      scf.if %cond3A_175 {
        %get3A = arith.constant 0 : i32
        %get3A_265 = arith.index_cast %get3A : i32 to index
        %get3A_266 = arith.constant 0 : index
        %get3A_267 = tpu.vector_load %arg7[%get3A_265, %get3A_266] {strides = array<i32>} : memref<2x128xi32, #tpu.memory_space<vmem>>, vector<16xi32>,
        tpu.vector_store_idx %arg9[%get3A_267], %broadcast_in_dim3A_7 {add = true} : memref<10000xf32, #tpu.memory_space<vmem>>[vector<16xi32>], vector<16xf32>,
        %get3A_268 = arith.constant 0 : i32
        %get3A_269 = arith.index_cast %get3A_268 : i32 to index
        %get3A_270 = arith.constant 16 : index
        %get3A_271 = tpu.vector_load %arg7[%get3A_269, %get3A_270] {strides = array<i32>} : memref<2x128xi32, #tpu.memory_space<vmem>>, vector<16xi32>,
        tpu.vector_store_idx %arg9[%get3A_271], %broadcast_in_dim3A_7 {add = true} : memref<10000xf32, #tpu.memory_space<vmem>>[vector<16xi32>], vector<16xf32>,
        %get3A_272 = arith.constant 0 : i32
        %get3A_273 = arith.index_cast %get3A_272 : i32 to index
        %get3A_274 = arith.constant 32 : index
        %get3A_275 = tpu.vector_load %arg7[%get3A_273, %get3A_274] {strides = array<i32>} : memref<2x128xi32, #tpu.memory_space<vmem>>, vector<16xi32>,
        tpu.vector_store_idx %arg9[%get3A_275], %broadcast_in_dim3A_7 {add = true} : memref<10000xf32, #tpu.memory_space<vmem>>[vector<16xi32>], vector<16xf32>,
        %get3A_276 = arith.constant 0 : i32
        %get3A_277 = arith.index_cast %get3A_276 : i32 to index
        %get3A_278 = arith.constant 48 : index
        %get3A_279 = tpu.vector_load %arg7[%get3A_277, %get3A_278] {strides = array<i32>} : memref<2x128xi32, #tpu.memory_space<vmem>>, vector<16xi32>,
        tpu.vector_store_idx %arg9[%get3A_279], %broadcast_in_dim3A_7 {add = true} : memref<10000xf32, #tpu.memory_space<vmem>>[vector<16xi32>], vector<16xf32>,
        %get3A_280 = arith.constant 0 : i32
        %get3A_281 = arith.index_cast %get3A_280 : i32 to index
        %get3A_282 = arith.constant 64 : index
        %get3A_283 = tpu.vector_load %arg7[%get3A_281, %get3A_282] {strides = array<i32>} : memref<2x128xi32, #tpu.memory_space<vmem>>, vector<16xi32>,
        tpu.vector_store_idx %arg9[%get3A_283], %broadcast_in_dim3A_7 {add = true} : memref<10000xf32, #tpu.memory_space<vmem>>[vector<16xi32>], vector<16xf32>,
        %get3A_284 = arith.constant 0 : i32
        %get3A_285 = arith.index_cast %get3A_284 : i32 to index
        %get3A_286 = arith.constant 80 : index
        %get3A_287 = tpu.vector_load %arg7[%get3A_285, %get3A_286] {strides = array<i32>} : memref<2x128xi32, #tpu.memory_space<vmem>>, vector<16xi32>,
        tpu.vector_store_idx %arg9[%get3A_287], %broadcast_in_dim3A_7 {add = true} : memref<10000xf32, #tpu.memory_space<vmem>>[vector<16xi32>], vector<16xf32>,
        %get3A_288 = arith.constant 0 : i32
        %get3A_289 = arith.index_cast %get3A_288 : i32 to index
        %get3A_290 = arith.constant 96 : index
        %get3A_291 = tpu.vector_load %arg7[%get3A_289, %get3A_290] {strides = array<i32>} : memref<2x128xi32, #tpu.memory_space<vmem>>, vector<16xi32>,
        tpu.vector_store_idx %arg9[%get3A_291], %broadcast_in_dim3A_7 {add = true} : memref<10000xf32, #tpu.memory_space<vmem>>[vector<16xi32>], vector<16xf32>,
        %get3A_292 = arith.constant 0 : i32
        %get3A_293 = arith.index_cast %get3A_292 : i32 to index
        %get3A_294 = arith.constant 112 : index
        %get3A_295 = tpu.vector_load %arg7[%get3A_293, %get3A_294] {strides = array<i32>} : memref<2x128xi32, #tpu.memory_space<vmem>>, vector<16xi32>,
        tpu.vector_store_idx %arg9[%get3A_295], %broadcast_in_dim3A_7 {add = true} : memref<10000xf32, #tpu.memory_space<vmem>>[vector<16xi32>], vector<16xf32>,
      } else {
      }
      %add3A_176 = arith.constant 2 : i32
      %add3A_177 = arith.addi %add3A_144, %add3A_176 : i32
      %min3A = arith.constant 77 : i32
      %min3A_178 = arith.minsi %add3A_177, %min3A : i32
      %mul3A_179 = arith.constant 128 : i32
      %mul3A_180 = arith.muli %min3A_178, %mul3A_179 : i32
      %add3A_181 = arith.addi %mul3A_2, %mul3A_180 : i32
      %dma_start3A_182 = arith.constant 0 : i32
      %dma_start3A_183 = arith.constant 0 : i32
      %dma_start3A_184 = tpu.memref_slice %arg7[%dma_start3A_182, %dma_start3A_183] : memref<2x128xi32, #tpu.memory_space<vmem>> -> memref<1x128xi32, #tpu.memory_space<vmem>>
      %dma_start3A_185 = tpu.memref_squeeze %dma_start3A_184 : memref<1x128xi32, #tpu.memory_space<vmem>> -> memref<128xi32, #tpu.memory_space<vmem>>
      %dma_start3A_186 = tpu.memref_slice %arg3[%add3A_181] : memref<160000xi32, #tpu.memory_space<hbm>> -> memref<128xi32, #tpu.memory_space<hbm>>
      %dma_start3A_187 = arith.constant 0 : i32
      %dma_start3A_188 = tpu.memref_slice %arg7[%dma_start3A_182, %dma_start3A_187] : memref<2x128xi32, #tpu.memory_space<vmem>> -> memref<1x128xi32, #tpu.memory_space<vmem>>
      %dma_start3A_189 = tpu.memref_squeeze %dma_start3A_188 : memref<1x128xi32, #tpu.memory_space<vmem>> -> memref<128xi32, #tpu.memory_space<vmem>>
      %dma_start3A_190 = tpu.memref_slice %arg3[%add3A_181] : memref<160000xi32, #tpu.memory_space<hbm>> -> memref<128xi32, #tpu.memory_space<hbm>>
      tpu.enqueue_dma source(%dma_start3A_190 : memref<128xi32, #tpu.memory_space<hbm>>) target(%dma_start3A_189 : memref<128xi32, #tpu.memory_space<vmem>>) target_semaphore(%arg13 : memref<!tpu.dma_semaphore, #tpu.memory_space<semaphore_mem>>)
      %dma_start3A_191 = arith.constant 0 : i32
      %dma_start3A_192 = arith.constant 0 : i32
      %dma_start3A_193 = arith.constant 0 : i32
      %dma_start3A_194 = tpu.memref_slice %arg6[%dma_start3A_191, %dma_start3A_192, %dma_start3A_193] : memref<2x128x128xf32, #tpu.memory_space<vmem>> -> memref<1x128x128xf32, #tpu.memory_space<vmem>>
      %dma_start3A_195 = tpu.memref_squeeze %dma_start3A_194 : memref<1x128x128xf32, #tpu.memory_space<vmem>> -> memref<128x128xf32, #tpu.memory_space<vmem>>
      %dma_start3A_196 = tpu.memref_slice %arg2[%add3A_181, %mul3A_0] : memref<160000x256xf32, #tpu.memory_space<hbm>> -> memref<128x128xf32, #tpu.memory_space<hbm>>
      %dma_start3A_197 = arith.constant 0 : i32
      %dma_start3A_198 = arith.constant 0 : i32
      %dma_start3A_199 = tpu.memref_slice %arg6[%dma_start3A_191, %dma_start3A_197, %dma_start3A_198] : memref<2x128x128xf32, #tpu.memory_space<vmem>> -> memref<1x128x128xf32, #tpu.memory_space<vmem>>
      %dma_start3A_200 = tpu.memref_squeeze %dma_start3A_199 : memref<1x128x128xf32, #tpu.memory_space<vmem>> -> memref<128x128xf32, #tpu.memory_space<vmem>>
      %dma_start3A_201 = tpu.memref_slice %arg2[%add3A_181, %mul3A_0] : memref<160000x256xf32, #tpu.memory_space<hbm>> -> memref<128x128xf32, #tpu.memory_space<hbm>>
      tpu.enqueue_dma source(%dma_start3A_201 : memref<128x128xf32, #tpu.memory_space<hbm>>) target(%dma_start3A_200 : memref<128x128xf32, #tpu.memory_space<vmem>>) target_semaphore(%arg11 : memref<!tpu.dma_semaphore, #tpu.memory_space<semaphore_mem>>)
      %mul3A_202 = arith.constant 2 : i32
      %mul3A_203 = arith.muli %mul3A_202, %scan3A_140 : i32
      %add3A_204 = arith.constant 1 : i32
      %add3A_205 = arith.addi %mul3A_203, %add3A_204 : i32
      %dma_wait3A_206 = arith.constant 1 : i32
      %dma_wait3A_207 = arith.constant 0 : i32
      %dma_wait3A_208 = tpu.memref_slice %arg7[%dma_wait3A_206, %dma_wait3A_207] : memref<2x128xi32, #tpu.memory_space<vmem>> -> memref<1x128xi32, #tpu.memory_space<vmem>>
      %dma_wait3A_209 = tpu.memref_squeeze %dma_wait3A_208 : memref<1x128xi32, #tpu.memory_space<vmem>> -> memref<128xi32, #tpu.memory_space<vmem>>
      %dma_wait3A_210 = tpu.memref_slice %arg3[%mul3A_2] : memref<160000xi32, #tpu.memory_space<hbm>> -> memref<128xi32, #tpu.memory_space<hbm>>
      %dma_wait3A_211 = arith.constant 0 : i32
      %dma_wait3A_212 = tpu.memref_slice %arg7[%dma_wait3A_206, %dma_wait3A_211] : memref<2x128xi32, #tpu.memory_space<vmem>> -> memref<1x128xi32, #tpu.memory_space<vmem>>
      %dma_wait3A_213 = tpu.memref_squeeze %dma_wait3A_212 : memref<1x128xi32, #tpu.memory_space<vmem>> -> memref<128xi32, #tpu.memory_space<vmem>>
      %dma_wait3A_214 = tpu.memref_slice %arg3[%mul3A_2] : memref<160000xi32, #tpu.memory_space<hbm>> -> memref<128xi32, #tpu.memory_space<hbm>>
      tpu.wait_dma2 semaphore(%arg14 : memref<!tpu.dma_semaphore, #tpu.memory_space<semaphore_mem>>) src(%dma_wait3A_214 : memref<128xi32, #tpu.memory_space<hbm>>) dst(%dma_wait3A_213 : memref<128xi32, #tpu.memory_space<vmem>>)
      %dma_wait3A_215 = arith.constant 1 : i32
      %dma_wait3A_216 = arith.constant 0 : i32
      %dma_wait3A_217 = arith.constant 0 : i32
      %dma_wait3A_218 = tpu.memref_slice %arg6[%dma_wait3A_215, %dma_wait3A_216, %dma_wait3A_217] : memref<2x128x128xf32, #tpu.memory_space<vmem>> -> memref<1x128x128xf32, #tpu.memory_space<vmem>>
      %dma_wait3A_219 = tpu.memref_squeeze %dma_wait3A_218 : memref<1x128x128xf32, #tpu.memory_space<vmem>> -> memref<128x128xf32, #tpu.memory_space<vmem>>
      %dma_wait3A_220 = tpu.memref_slice %arg2[%mul3A_2, %mul3A_0] : memref<160000x256xf32, #tpu.memory_space<hbm>> -> memref<128x128xf32, #tpu.memory_space<hbm>>
      %dma_wait3A_221 = arith.constant 0 : i32
      %dma_wait3A_222 = arith.constant 0 : i32
      %dma_wait3A_223 = tpu.memref_slice %arg6[%dma_wait3A_215, %dma_wait3A_221, %dma_wait3A_222] : memref<2x128x128xf32, #tpu.memory_space<vmem>> -> memref<1x128x128xf32, #tpu.memory_space<vmem>>
      %dma_wait3A_224 = tpu.memref_squeeze %dma_wait3A_223 : memref<1x128x128xf32, #tpu.memory_space<vmem>> -> memref<128x128xf32, #tpu.memory_space<vmem>>
      %dma_wait3A_225 = tpu.memref_slice %arg2[%mul3A_2, %mul3A_0] : memref<160000x256xf32, #tpu.memory_space<hbm>> -> memref<128x128xf32, #tpu.memory_space<hbm>>
      tpu.wait_dma2 semaphore(%arg12 : memref<!tpu.dma_semaphore, #tpu.memory_space<semaphore_mem>>) src(%dma_wait3A_225 : memref<128x128xf32, #tpu.memory_space<hbm>>) dst(%dma_wait3A_224 : memref<128x128xf32, #tpu.memory_space<vmem>>)
      %run_scoped3A_226 = arith.constant 1 : i32
      %run_scoped3A_227 = arith.constant 1 : i32
      "tpu.region"() ({
        %run_scoped3A_265 = tpu.sem_alloc : memref<!tpu.dma_semaphore, #tpu.memory_space<semaphore_mem>>
        %dma_start3A_266 = arith.constant 0 : i32
        %dma_start3A_267 = arith.constant 0 : i32
        %dma_start3A_268 = tpu.memref_slice %arg6[%run_scoped3A_226, %dma_start3A_266, %dma_start3A_267] : memref<2x128x128xf32, #tpu.memory_space<vmem>> -> memref<1x128x128xf32, #tpu.memory_space<vmem>>
        %dma_start3A_269 = tpu.memref_squeeze %dma_start3A_268 : memref<1x128x128xf32, #tpu.memory_space<vmem>> -> memref<128x128xf32, #tpu.memory_space<vmem>>
        %dma_start3A_270 = arith.constant 0 : i32
        %dma_start3A_271 = tpu.memref_slice %arg7[%run_scoped3A_227, %dma_start3A_270] : memref<2x128xi32, #tpu.memory_space<vmem>> -> memref<1x128xi32, #tpu.memory_space<vmem>>
        %dma_start3A_272 = tpu.memref_squeeze %dma_start3A_271 : memref<1x128xi32, #tpu.memory_space<vmem>> -> memref<128xi32, #tpu.memory_space<vmem>>
        %dma_start3A_273 = arith.constant 0 : i32
        %dma_start3A_274 = arith.constant 0 : i32
        %dma_start3A_275 = tpu.memref_slice %arg10[%dma_start3A_273, %dma_start3A_274] : memref<10000x128xf32, #tpu.memory_space<vmem_shared>> -> memref<10000x128xf32, #tpu.memory_space<vmem_shared>>
        tpu.enqueue_indirect_dma source(%dma_start3A_269 : memref<128x128xf32, #tpu.memory_space<vmem>>) target(%dma_start3A_275 : memref<10000x128xf32, #tpu.memory_space<vmem_shared>>) offsets(%dma_start3A_272 : memref<128xi32, #tpu.memory_space<vmem>>) semaphore(%run_scoped3A_265 : memref<!tpu.dma_semaphore, #tpu.memory_space<semaphore_mem>>) {add = true}
        %dma_wait3A_276 = arith.constant 0 : i32
        %dma_wait3A_277 = arith.constant 0 : i32
        %dma_wait3A_278 = tpu.memref_slice %arg6[%run_scoped3A_226, %dma_wait3A_276, %dma_wait3A_277] : memref<2x128x128xf32, #tpu.memory_space<vmem>> -> memref<1x128x128xf32, #tpu.memory_space<vmem>>
        %dma_wait3A_279 = tpu.memref_squeeze %dma_wait3A_278 : memref<1x128x128xf32, #tpu.memory_space<vmem>> -> memref<128x128xf32, #tpu.memory_space<vmem>>
        %dma_wait3A_280 = arith.constant 0 : i32
        %dma_wait3A_281 = tpu.memref_slice %arg7[%run_scoped3A_227, %dma_wait3A_280] : memref<2x128xi32, #tpu.memory_space<vmem>> -> memref<1x128xi32, #tpu.memory_space<vmem>>
        %dma_wait3A_282 = tpu.memref_squeeze %dma_wait3A_281 : memref<1x128xi32, #tpu.memory_space<vmem>> -> memref<128xi32, #tpu.memory_space<vmem>>
        %dma_wait3A_283 = arith.constant 0 : i32
        %dma_wait3A_284 = arith.constant 0 : i32
        %dma_wait3A_285 = tpu.memref_slice %arg10[%dma_wait3A_283, %dma_wait3A_284] : memref<10000x128xf32, #tpu.memory_space<vmem_shared>> -> memref<10000x128xf32, #tpu.memory_space<vmem_shared>>
        tpu.wait_indirect_dma semaphore(%run_scoped3A_265 : memref<!tpu.dma_semaphore, #tpu.memory_space<semaphore_mem>>) src(%dma_wait3A_279 : memref<128x128xf32, #tpu.memory_space<vmem>>) dst(%dma_wait3A_285 : memref<10000x128xf32, #tpu.memory_space<vmem_shared>>)
        tpu.yield
      }) : () -> ()
      %lt3A_228 = arith.constant 39 : i32
      %lt3A_229 = arith.cmpi slt, %add3A_205, %lt3A_228 : i32
      %eq3A_230 = arith.constant 0 : i32
      %eq3A_231 = arith.cmpi eq, %arg0, %eq3A_230 : i32
      %eq3A_232 = arith.xori %lt3A_229, %eq3A_231 : i1
      %eq3A_233 = arith.constant true
      %eq3A_234 = arith.xori %eq3A_232, %eq3A_233 : i1
      %convert_element_type3A_235 = arith.extui %eq3A_234 : i1 to i32
      %cond3A_236 = arith.constant 0 : i32
      %cond3A_237 = arith.cmpi ne, %convert_element_type3A_235, %cond3A_236 : i32
      scf.if %cond3A_237 {
        %get3A = arith.constant 1 : i32
        %get3A_265 = arith.index_cast %get3A : i32 to index
        %get3A_266 = arith.constant 0 : index
        %get3A_267 = tpu.vector_load %arg7[%get3A_265, %get3A_266] {strides = array<i32>} : memref<2x128xi32, #tpu.memory_space<vmem>>, vector<16xi32>,
        tpu.vector_store_idx %arg9[%get3A_267], %broadcast_in_dim3A_7 {add = true} : memref<10000xf32, #tpu.memory_space<vmem>>[vector<16xi32>], vector<16xf32>,
        %get3A_268 = arith.constant 1 : i32
        %get3A_269 = arith.index_cast %get3A_268 : i32 to index
        %get3A_270 = arith.constant 16 : index
        %get3A_271 = tpu.vector_load %arg7[%get3A_269, %get3A_270] {strides = array<i32>} : memref<2x128xi32, #tpu.memory_space<vmem>>, vector<16xi32>,
        tpu.vector_store_idx %arg9[%get3A_271], %broadcast_in_dim3A_7 {add = true} : memref<10000xf32, #tpu.memory_space<vmem>>[vector<16xi32>], vector<16xf32>,
        %get3A_272 = arith.constant 1 : i32
        %get3A_273 = arith.index_cast %get3A_272 : i32 to index
        %get3A_274 = arith.constant 32 : index
        %get3A_275 = tpu.vector_load %arg7[%get3A_273, %get3A_274] {strides = array<i32>} : memref<2x128xi32, #tpu.memory_space<vmem>>, vector<16xi32>,
        tpu.vector_store_idx %arg9[%get3A_275], %broadcast_in_dim3A_7 {add = true} : memref<10000xf32, #tpu.memory_space<vmem>>[vector<16xi32>], vector<16xf32>,
        %get3A_276 = arith.constant 1 : i32
        %get3A_277 = arith.index_cast %get3A_276 : i32 to index
        %get3A_278 = arith.constant 48 : index
        %get3A_279 = tpu.vector_load %arg7[%get3A_277, %get3A_278] {strides = array<i32>} : memref<2x128xi32, #tpu.memory_space<vmem>>, vector<16xi32>,
        tpu.vector_store_idx %arg9[%get3A_279], %broadcast_in_dim3A_7 {add = true} : memref<10000xf32, #tpu.memory_space<vmem>>[vector<16xi32>], vector<16xf32>,
        %get3A_280 = arith.constant 1 : i32
        %get3A_281 = arith.index_cast %get3A_280 : i32 to index
        %get3A_282 = arith.constant 64 : index
        %get3A_283 = tpu.vector_load %arg7[%get3A_281, %get3A_282] {strides = array<i32>} : memref<2x128xi32, #tpu.memory_space<vmem>>, vector<16xi32>,
        tpu.vector_store_idx %arg9[%get3A_283], %broadcast_in_dim3A_7 {add = true} : memref<10000xf32, #tpu.memory_space<vmem>>[vector<16xi32>], vector<16xf32>,
        %get3A_284 = arith.constant 1 : i32
        %get3A_285 = arith.index_cast %get3A_284 : i32 to index
        %get3A_286 = arith.constant 80 : index
        %get3A_287 = tpu.vector_load %arg7[%get3A_285, %get3A_286] {strides = array<i32>} : memref<2x128xi32, #tpu.memory_space<vmem>>, vector<16xi32>,
        tpu.vector_store_idx %arg9[%get3A_287], %broadcast_in_dim3A_7 {add = true} : memref<10000xf32, #tpu.memory_space<vmem>>[vector<16xi32>], vector<16xf32>,
        %get3A_288 = arith.constant 1 : i32
        %get3A_289 = arith.index_cast %get3A_288 : i32 to index
        %get3A_290 = arith.constant 96 : index
        %get3A_291 = tpu.vector_load %arg7[%get3A_289, %get3A_290] {strides = array<i32>} : memref<2x128xi32, #tpu.memory_space<vmem>>, vector<16xi32>,
        tpu.vector_store_idx %arg9[%get3A_291], %broadcast_in_dim3A_7 {add = true} : memref<10000xf32, #tpu.memory_space<vmem>>[vector<16xi32>], vector<16xf32>,
        %get3A_292 = arith.constant 1 : i32
        %get3A_293 = arith.index_cast %get3A_292 : i32 to index
        %get3A_294 = arith.constant 112 : index
        %get3A_295 = tpu.vector_load %arg7[%get3A_293, %get3A_294] {strides = array<i32>} : memref<2x128xi32, #tpu.memory_space<vmem>>, vector<16xi32>,
        tpu.vector_store_idx %arg9[%get3A_295], %broadcast_in_dim3A_7 {add = true} : memref<10000xf32, #tpu.memory_space<vmem>>[vector<16xi32>], vector<16xf32>,
      } else {
      }
      %add3A_238 = arith.constant 2 : i32
      %add3A_239 = arith.addi %add3A_205, %add3A_238 : i32
      %min3A_240 = arith.constant 77 : i32
      %min3A_241 = arith.minsi %add3A_239, %min3A_240 : i32
      %mul3A_242 = arith.constant 128 : i32
      %mul3A_243 = arith.muli %min3A_241, %mul3A_242 : i32
      %add3A_244 = arith.addi %mul3A_2, %mul3A_243 : i32
      %dma_start3A_245 = arith.constant 1 : i32
      %dma_start3A_246 = arith.constant 0 : i32
      %dma_start3A_247 = tpu.memref_slice %arg7[%dma_start3A_245, %dma_start3A_246] : memref<2x128xi32, #tpu.memory_space<vmem>> -> memref<1x128xi32, #tpu.memory_space<vmem>>
      %dma_start3A_248 = tpu.memref_squeeze %dma_start3A_247 : memref<1x128xi32, #tpu.memory_space<vmem>> -> memref<128xi32, #tpu.memory_space<vmem>>
      %dma_start3A_249 = tpu.memref_slice %arg3[%add3A_244] : memref<160000xi32, #tpu.memory_space<hbm>> -> memref<128xi32, #tpu.memory_space<hbm>>
      %dma_start3A_250 = arith.constant 0 : i32
      %dma_start3A_251 = tpu.memref_slice %arg7[%dma_start3A_245, %dma_start3A_250] : memref<2x128xi32, #tpu.memory_space<vmem>> -> memref<1x128xi32, #tpu.memory_space<vmem>>
      %dma_start3A_252 = tpu.memref_squeeze %dma_start3A_251 : memref<1x128xi32, #tpu.memory_space<vmem>> -> memref<128xi32, #tpu.memory_space<vmem>>
      %dma_start3A_253 = tpu.memref_slice %arg3[%add3A_244] : memref<160000xi32, #tpu.memory_space<hbm>> -> memref<128xi32, #tpu.memory_space<hbm>>
      tpu.enqueue_dma source(%dma_start3A_253 : memref<128xi32, #tpu.memory_space<hbm>>) target(%dma_start3A_252 : memref<128xi32, #tpu.memory_space<vmem>>) target_semaphore(%arg14 : memref<!tpu.dma_semaphore, #tpu.memory_space<semaphore_mem>>)
      %dma_start3A_254 = arith.constant 1 : i32
      %dma_start3A_255 = arith.constant 0 : i32
      %dma_start3A_256 = arith.constant 0 : i32
      %dma_start3A_257 = tpu.memref_slice %arg6[%dma_start3A_254, %dma_start3A_255, %dma_start3A_256] : memref<2x128x128xf32, #tpu.memory_space<vmem>> -> memref<1x128x128xf32, #tpu.memory_space<vmem>>
      %dma_start3A_258 = tpu.memref_squeeze %dma_start3A_257 : memref<1x128x128xf32, #tpu.memory_space<vmem>> -> memref<128x128xf32, #tpu.memory_space<vmem>>
      %dma_start3A_259 = tpu.memref_slice %arg2[%add3A_244, %mul3A_0] : memref<160000x256xf32, #tpu.memory_space<hbm>> -> memref<128x128xf32, #tpu.memory_space<hbm>>
      %dma_start3A_260 = arith.constant 0 : i32
      %dma_start3A_261 = arith.constant 0 : i32
      %dma_start3A_262 = tpu.memref_slice %arg6[%dma_start3A_254, %dma_start3A_260, %dma_start3A_261] : memref<2x128x128xf32, #tpu.memory_space<vmem>> -> memref<1x128x128xf32, #tpu.memory_space<vmem>>
      %dma_start3A_263 = tpu.memref_squeeze %dma_start3A_262 : memref<1x128x128xf32, #tpu.memory_space<vmem>> -> memref<128x128xf32, #tpu.memory_space<vmem>>
      %dma_start3A_264 = tpu.memref_slice %arg2[%add3A_244, %mul3A_0] : memref<160000x256xf32, #tpu.memory_space<hbm>> -> memref<128x128xf32, #tpu.memory_space<hbm>>
      tpu.enqueue_dma source(%dma_start3A_264 : memref<128x128xf32, #tpu.memory_space<hbm>>) target(%dma_start3A_263 : memref<128x128xf32, #tpu.memory_space<vmem>>) target_semaphore(%arg12 : memref<!tpu.dma_semaphore, #tpu.memory_space<semaphore_mem>>)
    }
    %scan3A_82 = arith.constant 39 : i32
    %dma_wait3A = arith.constant 0 : i32
    %dma_wait3A_83 = arith.constant 0 : i32
    %dma_wait3A_84 = tpu.memref_slice %arg7[%dma_wait3A, %dma_wait3A_83] : memref<2x128xi32, #tpu.memory_space<vmem>> -> memref<1x128xi32, #tpu.memory_space<vmem>>
    %dma_wait3A_85 = tpu.memref_squeeze %dma_wait3A_84 : memref<1x128xi32, #tpu.memory_space<vmem>> -> memref<128xi32, #tpu.memory_space<vmem>>
    %dma_wait3A_86 = tpu.memref_slice %arg3[%mul3A_2] : memref<160000xi32, #tpu.memory_space<hbm>> -> memref<128xi32, #tpu.memory_space<hbm>>
    %dma_wait3A_87 = arith.constant 0 : i32
    %dma_wait3A_88 = tpu.memref_slice %arg7[%dma_wait3A, %dma_wait3A_87] : memref<2x128xi32, #tpu.memory_space<vmem>> -> memref<1x128xi32, #tpu.memory_space<vmem>>
    %dma_wait3A_89 = tpu.memref_squeeze %dma_wait3A_88 : memref<1x128xi32, #tpu.memory_space<vmem>> -> memref<128xi32, #tpu.memory_space<vmem>>
    %dma_wait3A_90 = tpu.memref_slice %arg3[%mul3A_2] : memref<160000xi32, #tpu.memory_space<hbm>> -> memref<128xi32, #tpu.memory_space<hbm>>
    tpu.wait_dma2 semaphore(%arg13 : memref<!tpu.dma_semaphore, #tpu.memory_space<semaphore_mem>>) src(%dma_wait3A_90 : memref<128xi32, #tpu.memory_space<hbm>>) dst(%dma_wait3A_89 : memref<128xi32, #tpu.memory_space<vmem>>)
    %dma_wait3A_91 = arith.constant 0 : i32
    %dma_wait3A_92 = arith.constant 0 : i32
    %dma_wait3A_93 = arith.constant 0 : i32
    %dma_wait3A_94 = tpu.memref_slice %arg6[%dma_wait3A_91, %dma_wait3A_92, %dma_wait3A_93] : memref<2x128x128xf32, #tpu.memory_space<vmem>> -> memref<1x128x128xf32, #tpu.memory_space<vmem>>
    %dma_wait3A_95 = tpu.memref_squeeze %dma_wait3A_94 : memref<1x128x128xf32, #tpu.memory_space<vmem>> -> memref<128x128xf32, #tpu.memory_space<vmem>>
    %dma_wait3A_96 = tpu.memref_slice %arg2[%mul3A_2, %mul3A_0] : memref<160000x256xf32, #tpu.memory_space<hbm>> -> memref<128x128xf32, #tpu.memory_space<hbm>>
    %dma_wait3A_97 = arith.constant 0 : i32
    %dma_wait3A_98 = arith.constant 0 : i32
    %dma_wait3A_99 = tpu.memref_slice %arg6[%dma_wait3A_91, %dma_wait3A_97, %dma_wait3A_98] : memref<2x128x128xf32, #tpu.memory_space<vmem>> -> memref<1x128x128xf32, #tpu.memory_space<vmem>>
    %dma_wait3A_100 = tpu.memref_squeeze %dma_wait3A_99 : memref<1x128x128xf32, #tpu.memory_space<vmem>> -> memref<128x128xf32, #tpu.memory_space<vmem>>
    %dma_wait3A_101 = tpu.memref_slice %arg2[%mul3A_2, %mul3A_0] : memref<160000x256xf32, #tpu.memory_space<hbm>> -> memref<128x128xf32, #tpu.memory_space<hbm>>
    tpu.wait_dma2 semaphore(%arg11 : memref<!tpu.dma_semaphore, #tpu.memory_space<semaphore_mem>>) src(%dma_wait3A_101 : memref<128x128xf32, #tpu.memory_space<hbm>>) dst(%dma_wait3A_100 : memref<128x128xf32, #tpu.memory_space<vmem>>)
    %dma_wait3A_102 = arith.constant 1 : i32
    %dma_wait3A_103 = arith.constant 0 : i32
    %dma_wait3A_104 = tpu.memref_slice %arg7[%dma_wait3A_102, %dma_wait3A_103] : memref<2x128xi32, #tpu.memory_space<vmem>> -> memref<1x128xi32, #tpu.memory_space<vmem>>
    %dma_wait3A_105 = tpu.memref_squeeze %dma_wait3A_104 : memref<1x128xi32, #tpu.memory_space<vmem>> -> memref<128xi32, #tpu.memory_space<vmem>>
    %dma_wait3A_106 = tpu.memref_slice %arg3[%mul3A_2] : memref<160000xi32, #tpu.memory_space<hbm>> -> memref<128xi32, #tpu.memory_space<hbm>>
    %dma_wait3A_107 = arith.constant 0 : i32
    %dma_wait3A_108 = tpu.memref_slice %arg7[%dma_wait3A_102, %dma_wait3A_107] : memref<2x128xi32, #tpu.memory_space<vmem>> -> memref<1x128xi32, #tpu.memory_space<vmem>>
    %dma_wait3A_109 = tpu.memref_squeeze %dma_wait3A_108 : memref<1x128xi32, #tpu.memory_space<vmem>> -> memref<128xi32, #tpu.memory_space<vmem>>
    %dma_wait3A_110 = tpu.memref_slice %arg3[%mul3A_2] : memref<160000xi32, #tpu.memory_space<hbm>> -> memref<128xi32, #tpu.memory_space<hbm>>
    tpu.wait_dma2 semaphore(%arg14 : memref<!tpu.dma_semaphore, #tpu.memory_space<semaphore_mem>>) src(%dma_wait3A_110 : memref<128xi32, #tpu.memory_space<hbm>>) dst(%dma_wait3A_109 : memref<128xi32, #tpu.memory_space<vmem>>)
    %dma_wait3A_111 = arith.constant 1 : i32
    %dma_wait3A_112 = arith.constant 0 : i32
    %dma_wait3A_113 = arith.constant 0 : i32
    %dma_wait3A_114 = tpu.memref_slice %arg6[%dma_wait3A_111, %dma_wait3A_112, %dma_wait3A_113] : memref<2x128x128xf32, #tpu.memory_space<vmem>> -> memref<1x128x128xf32, #tpu.memory_space<vmem>>
    %dma_wait3A_115 = tpu.memref_squeeze %dma_wait3A_114 : memref<1x128x128xf32, #tpu.memory_space<vmem>> -> memref<128x128xf32, #tpu.memory_space<vmem>>
    %dma_wait3A_116 = tpu.memref_slice %arg2[%mul3A_2, %mul3A_0] : memref<160000x256xf32, #tpu.memory_space<hbm>> -> memref<128x128xf32, #tpu.memory_space<hbm>>
    %dma_wait3A_117 = arith.constant 0 : i32
    %dma_wait3A_118 = arith.constant 0 : i32
    %dma_wait3A_119 = tpu.memref_slice %arg6[%dma_wait3A_111, %dma_wait3A_117, %dma_wait3A_118] : memref<2x128x128xf32, #tpu.memory_space<vmem>> -> memref<1x128x128xf32, #tpu.memory_space<vmem>>
    %dma_wait3A_120 = tpu.memref_squeeze %dma_wait3A_119 : memref<1x128x128xf32, #tpu.memory_space<vmem>> -> memref<128x128xf32, #tpu.memory_space<vmem>>
    %dma_wait3A_121 = tpu.memref_slice %arg2[%mul3A_2, %mul3A_0] : memref<160000x256xf32, #tpu.memory_space<hbm>> -> memref<128x128xf32, #tpu.memory_space<hbm>>
    tpu.wait_dma2 semaphore(%arg12 : memref<!tpu.dma_semaphore, #tpu.memory_space<semaphore_mem>>) src(%dma_wait3A_121 : memref<128x128xf32, #tpu.memory_space<hbm>>) dst(%dma_wait3A_120 : memref<128x128xf32, #tpu.memory_space<vmem>>)
    %add3A_122 = arith.constant 9984 : i32
    %add3A_123 = arith.addi %mul3A_2, %add3A_122 : i32
    "tpu.region"() ({
      %run_scoped3A_140 = tpu.sem_alloc : memref<!tpu.dma_semaphore, #tpu.memory_space<semaphore_mem>>
      %dma_start3A_141 = tpu.memref_slice %arg3[%add3A_123] : memref<160000xi32, #tpu.memory_space<hbm>> -> memref<16xi32, #tpu.memory_space<hbm>>
      %dma_start3A_142 = tpu.memref_slice %arg3[%add3A_123] : memref<160000xi32, #tpu.memory_space<hbm>> -> memref<16xi32, #tpu.memory_space<hbm>>
      tpu.enqueue_dma source(%dma_start3A_142 : memref<16xi32, #tpu.memory_space<hbm>>) target(%arg8 : memref<16xi32, #tpu.memory_space<vmem>>) target_semaphore(%run_scoped3A_140 : memref<!tpu.dma_semaphore, #tpu.memory_space<semaphore_mem>>)
      %dma_wait3A_143 = tpu.memref_slice %arg3[%add3A_123] : memref<160000xi32, #tpu.memory_space<hbm>> -> memref<16xi32, #tpu.memory_space<hbm>>
      %dma_wait3A_144 = tpu.memref_slice %arg3[%add3A_123] : memref<160000xi32, #tpu.memory_space<hbm>> -> memref<16xi32, #tpu.memory_space<hbm>>
      tpu.wait_dma2 semaphore(%run_scoped3A_140 : memref<!tpu.dma_semaphore, #tpu.memory_space<semaphore_mem>>) src(%dma_wait3A_144 : memref<16xi32, #tpu.memory_space<hbm>>) dst(%arg8 : memref<16xi32, #tpu.memory_space<vmem>>)
      tpu.yield
    }) : () -> ()
    %run_scoped3A_124 = arith.constant 0 : i32
    "tpu.region"() ({
      %run_scoped3A_140 = tpu.sem_alloc : memref<!tpu.dma_semaphore, #tpu.memory_space<semaphore_mem>>
      %dma_start3A_141 = arith.constant 0 : i32
      %dma_start3A_142 = arith.constant 0 : i32
      %dma_start3A_143 = tpu.memref_slice %arg6[%run_scoped3A_124, %dma_start3A_141, %dma_start3A_142] : memref<2x128x128xf32, #tpu.memory_space<vmem>> -> memref<1x16x128xf32, #tpu.memory_space<vmem>>
      %dma_start3A_144 = tpu.memref_squeeze %dma_start3A_143 : memref<1x16x128xf32, #tpu.memory_space<vmem>> -> memref<16x128xf32, #tpu.memory_space<vmem>>
      %dma_start3A_145 = tpu.memref_slice %arg2[%add3A_123, %mul3A_0] : memref<160000x256xf32, #tpu.memory_space<hbm>> -> memref<16x128xf32, #tpu.memory_space<hbm>>
      %dma_start3A_146 = arith.constant 0 : i32
      %dma_start3A_147 = arith.constant 0 : i32
      %dma_start3A_148 = tpu.memref_slice %arg6[%run_scoped3A_124, %dma_start3A_146, %dma_start3A_147] : memref<2x128x128xf32, #tpu.memory_space<vmem>> -> memref<1x16x128xf32, #tpu.memory_space<vmem>>
      %dma_start3A_149 = tpu.memref_squeeze %dma_start3A_148 : memref<1x16x128xf32, #tpu.memory_space<vmem>> -> memref<16x128xf32, #tpu.memory_space<vmem>>
      %dma_start3A_150 = tpu.memref_slice %arg2[%add3A_123, %mul3A_0] : memref<160000x256xf32, #tpu.memory_space<hbm>> -> memref<16x128xf32, #tpu.memory_space<hbm>>
      tpu.enqueue_dma source(%dma_start3A_150 : memref<16x128xf32, #tpu.memory_space<hbm>>) target(%dma_start3A_149 : memref<16x128xf32, #tpu.memory_space<vmem>>) target_semaphore(%run_scoped3A_140 : memref<!tpu.dma_semaphore, #tpu.memory_space<semaphore_mem>>)
      %dma_wait3A_151 = arith.constant 0 : i32
      %dma_wait3A_152 = arith.constant 0 : i32
      %dma_wait3A_153 = tpu.memref_slice %arg6[%run_scoped3A_124, %dma_wait3A_151, %dma_wait3A_152] : memref<2x128x128xf32, #tpu.memory_space<vmem>> -> memref<1x16x128xf32, #tpu.memory_space<vmem>>
      %dma_wait3A_154 = tpu.memref_squeeze %dma_wait3A_153 : memref<1x16x128xf32, #tpu.memory_space<vmem>> -> memref<16x128xf32, #tpu.memory_space<vmem>>
      %dma_wait3A_155 = tpu.memref_slice %arg2[%add3A_123, %mul3A_0] : memref<160000x256xf32, #tpu.memory_space<hbm>> -> memref<16x128xf32, #tpu.memory_space<hbm>>
      %dma_wait3A_156 = arith.constant 0 : i32
      %dma_wait3A_157 = arith.constant 0 : i32
      %dma_wait3A_158 = tpu.memref_slice %arg6[%run_scoped3A_124, %dma_wait3A_156, %dma_wait3A_157] : memref<2x128x128xf32, #tpu.memory_space<vmem>> -> memref<1x16x128xf32, #tpu.memory_space<vmem>>
      %dma_wait3A_159 = tpu.memref_squeeze %dma_wait3A_158 : memref<1x16x128xf32, #tpu.memory_space<vmem>> -> memref<16x128xf32, #tpu.memory_space<vmem>>
      %dma_wait3A_160 = tpu.memref_slice %arg2[%add3A_123, %mul3A_0] : memref<160000x256xf32, #tpu.memory_space<hbm>> -> memref<16x128xf32, #tpu.memory_space<hbm>>
      tpu.wait_dma2 semaphore(%run_scoped3A_140 : memref<!tpu.dma_semaphore, #tpu.memory_space<semaphore_mem>>) src(%dma_wait3A_160 : memref<16x128xf32, #tpu.memory_space<hbm>>) dst(%dma_wait3A_159 : memref<16x128xf32, #tpu.memory_space<vmem>>)
      tpu.yield
    }) : () -> ()
    %run_scoped3A_125 = arith.constant 0 : i32
    "tpu.region"() ({
      %run_scoped3A_140 = tpu.sem_alloc : memref<!tpu.dma_semaphore, #tpu.memory_space<semaphore_mem>>
      %dma_start3A_141 = arith.constant 0 : i32
      %dma_start3A_142 = arith.constant 0 : i32
      %dma_start3A_143 = tpu.memref_slice %arg6[%run_scoped3A_125, %dma_start3A_141, %dma_start3A_142] : memref<2x128x128xf32, #tpu.memory_space<vmem>> -> memref<1x16x128xf32, #tpu.memory_space<vmem>>
      %dma_start3A_144 = tpu.memref_squeeze %dma_start3A_143 : memref<1x16x128xf32, #tpu.memory_space<vmem>> -> memref<16x128xf32, #tpu.memory_space<vmem>>
      %dma_start3A_145 = arith.constant 0 : i32
      %dma_start3A_146 = arith.constant 0 : i32
      %dma_start3A_147 = tpu.memref_slice %arg10[%dma_start3A_145, %dma_start3A_146] : memref<10000x128xf32, #tpu.memory_space<vmem_shared>> -> memref<10000x128xf32, #tpu.memory_space<vmem_shared>>
      tpu.enqueue_indirect_dma source(%dma_start3A_144 : memref<16x128xf32, #tpu.memory_space<vmem>>) target(%dma_start3A_147 : memref<10000x128xf32, #tpu.memory_space<vmem_shared>>) offsets(%arg8 : memref<16xi32, #tpu.memory_space<vmem>>) semaphore(%run_scoped3A_140 : memref<!tpu.dma_semaphore, #tpu.memory_space<semaphore_mem>>) {add = true}
      %dma_wait3A_148 = arith.constant 0 : i32
      %dma_wait3A_149 = arith.constant 0 : i32
      %dma_wait3A_150 = tpu.memref_slice %arg6[%run_scoped3A_125, %dma_wait3A_148, %dma_wait3A_149] : memref<2x128x128xf32, #tpu.memory_space<vmem>> -> memref<1x16x128xf32, #tpu.memory_space<vmem>>
      %dma_wait3A_151 = tpu.memref_squeeze %dma_wait3A_150 : memref<1x16x128xf32, #tpu.memory_space<vmem>> -> memref<16x128xf32, #tpu.memory_space<vmem>>
      %dma_wait3A_152 = arith.constant 0 : i32
      %dma_wait3A_153 = arith.constant 0 : i32
      %dma_wait3A_154 = tpu.memref_slice %arg10[%dma_wait3A_152, %dma_wait3A_153] : memref<10000x128xf32, #tpu.memory_space<vmem_shared>> -> memref<10000x128xf32, #tpu.memory_space<vmem_shared>>
      tpu.wait_indirect_dma semaphore(%run_scoped3A_140 : memref<!tpu.dma_semaphore, #tpu.memory_space<semaphore_mem>>) src(%dma_wait3A_151 : memref<16x128xf32, #tpu.memory_space<vmem>>) dst(%dma_wait3A_154 : memref<10000x128xf32, #tpu.memory_space<vmem_shared>>)
      tpu.yield
    }) : () -> ()
    %eq3A_126 = arith.constant 1 : i32
    %eq3A_127 = arith.cmpi eq, %arg0, %eq3A_126 : i32
    %convert_element_type3A_128 = arith.extui %eq3A_127 : i1 to i32
    %cond3A_129 = arith.constant 0 : i32
    %cond3A_130 = arith.cmpi ne, %convert_element_type3A_128, %cond3A_129 : i32
    scf.if %cond3A_130 {
      %get3A = arith.constant 0 : index
      %get3A_140 = tpu.vector_load %arg8[%get3A] {strides = array<i32>} : memref<16xi32, #tpu.memory_space<vmem>>, vector<16xi32>,
      tpu.vector_store_idx %arg9[%get3A_140], %broadcast_in_dim3A_7 {add = true} : memref<10000xf32, #tpu.memory_space<vmem>>[vector<16xi32>], vector<16xf32>,
    } else {
    }
    %barrier3A_131 = arith.constant 0 : index
    tpu.barrier barrier_id(%barrier3A_131)
    "tpu.region"() ({
      %run_scoped3A_140 = tpu.sem_alloc : memref<!tpu.dma_semaphore, #tpu.memory_space<semaphore_mem>>
      %dma_start3A_141 = tpu.memref_slice %arg4[%mul3A_4, %mul3A_0] : memref<10000x256xf32, #tpu.memory_space<hbm>> -> memref<624x128xf32, #tpu.memory_space<hbm>>
      %dma_start3A_142 = arith.constant 0 : i32
      %dma_start3A_143 = tpu.memref_slice %arg10[%mul3A_4, %dma_start3A_142] : memref<10000x128xf32, #tpu.memory_space<vmem_shared>> -> memref<624x128xf32, #tpu.memory_space<vmem_shared>>
      tpu.enqueue_dma source(%dma_start3A_143 : memref<624x128xf32, #tpu.memory_space<vmem_shared>>) target(%dma_start3A_141 : memref<624x128xf32, #tpu.memory_space<hbm>>) target_semaphore(%run_scoped3A_140 : memref<!tpu.dma_semaphore, #tpu.memory_space<semaphore_mem>>)
      %dma_wait3A_144 = tpu.memref_slice %arg4[%mul3A_4, %mul3A_0] : memref<10000x256xf32, #tpu.memory_space<hbm>> -> memref<624x128xf32, #tpu.memory_space<hbm>>
      %dma_wait3A_145 = arith.constant 0 : i32
      %dma_wait3A_146 = tpu.memref_slice %arg10[%mul3A_4, %dma_wait3A_145] : memref<10000x128xf32, #tpu.memory_space<vmem_shared>> -> memref<624x128xf32, #tpu.memory_space<vmem_shared>>
      tpu.wait_dma2 semaphore(%run_scoped3A_140 : memref<!tpu.dma_semaphore, #tpu.memory_space<semaphore_mem>>) src(%dma_wait3A_146 : memref<624x128xf32, #tpu.memory_space<vmem_shared>>) dst(%dma_wait3A_144 : memref<624x128xf32, #tpu.memory_space<hbm>>)
      tpu.yield
    }) : () -> ()
    %mul3A_132 = arith.constant 16 : i32
    %mul3A_133 = arith.muli %arg0, %mul3A_132 : i32
    %add3A_134 = arith.addi %mul3A_133, %arg1 : i32
    "tpu.region"() ({
      %run_scoped3A_140 = tpu.sem_alloc : memref<!tpu.dma_semaphore, #tpu.memory_space<semaphore_mem>>
      %dma_start3A_141 = arith.constant 0 : i32
      %dma_start3A_142 = tpu.memref_slice %arg5[%add3A_134, %dma_start3A_141] : memref<32x10000xf32, #tpu.memory_space<hbm>> -> memref<1x10000xf32, #tpu.memory_space<hbm>>
      %dma_start3A_143 = tpu.memref_squeeze %dma_start3A_142 : memref<1x10000xf32, #tpu.memory_space<hbm>> -> memref<10000xf32, #tpu.memory_space<hbm>>
      %dma_start3A_144 = arith.constant 0 : i32
      %dma_start3A_145 = tpu.memref_slice %arg5[%add3A_134, %dma_start3A_144] : memref<32x10000xf32, #tpu.memory_space<hbm>> -> memref<1x10000xf32, #tpu.memory_space<hbm>>
      %dma_start3A_146 = tpu.memref_squeeze %dma_start3A_145 : memref<1x10000xf32, #tpu.memory_space<hbm>> -> memref<10000xf32, #tpu.memory_space<hbm>>
      tpu.enqueue_dma source(%arg9 : memref<10000xf32, #tpu.memory_space<vmem>>) target(%dma_start3A_146 : memref<10000xf32, #tpu.memory_space<hbm>>) target_semaphore(%run_scoped3A_140 : memref<!tpu.dma_semaphore, #tpu.memory_space<semaphore_mem>>)
      %dma_wait3A_147 = arith.constant 0 : i32
      %dma_wait3A_148 = tpu.memref_slice %arg5[%add3A_134, %dma_wait3A_147] : memref<32x10000xf32, #tpu.memory_space<hbm>> -> memref<1x10000xf32, #tpu.memory_space<hbm>>
      %dma_wait3A_149 = tpu.memref_squeeze %dma_wait3A_148 : memref<1x10000xf32, #tpu.memory_space<hbm>> -> memref<10000xf32, #tpu.memory_space<hbm>>
      %dma_wait3A_150 = arith.constant 0 : i32
      %dma_wait3A_151 = tpu.memref_slice %arg5[%add3A_134, %dma_wait3A_150] : memref<32x10000xf32, #tpu.memory_space<hbm>> -> memref<1x10000xf32, #tpu.memory_space<hbm>>
      %dma_wait3A_152 = tpu.memref_squeeze %dma_wait3A_151 : memref<1x10000xf32, #tpu.memory_space<hbm>> -> memref<10000xf32, #tpu.memory_space<hbm>>
      tpu.wait_dma2 semaphore(%run_scoped3A_140 : memref<!tpu.dma_semaphore, #tpu.memory_space<semaphore_mem>>) src(%arg9 : memref<10000xf32, #tpu.memory_space<vmem>>) dst(%dma_wait3A_152 : memref<10000xf32, #tpu.memory_space<hbm>>)
      tpu.yield
    }) : () -> ()
    %eq3A_135 = arith.constant 15 : i32
    %eq3A_136 = arith.cmpi eq, %arg1, %eq3A_135 : i32
    %convert_element_type3A_137 = arith.extui %eq3A_136 : i1 to i32
    %cond3A_138 = arith.constant 0 : i32
    %cond3A_139 = arith.cmpi ne, %convert_element_type3A_137, %cond3A_138 : i32
    scf.if %cond3A_139 {
      "tpu.region"() ({
        %run_scoped3A_140 = tpu.sem_alloc : memref<!tpu.dma_semaphore, #tpu.memory_space<semaphore_mem>>
        %dma_start3A_141 = arith.constant 9984 : i32
        %dma_start3A_142 = tpu.memref_slice %arg4[%dma_start3A_141, %mul3A_0] : memref<10000x256xf32, #tpu.memory_space<hbm>> -> memref<16x128xf32, #tpu.memory_space<hbm>>
        %dma_start3A_143 = arith.constant 9984 : i32
        %dma_start3A_144 = arith.constant 0 : i32
        %dma_start3A_145 = tpu.memref_slice %arg10[%dma_start3A_143, %dma_start3A_144] : memref<10000x128xf32, #tpu.memory_space<vmem_shared>> -> memref<16x128xf32, #tpu.memory_space<vmem_shared>>
        tpu.enqueue_dma source(%dma_start3A_145 : memref<16x128xf32, #tpu.memory_space<vmem_shared>>) target(%dma_start3A_142 : memref<16x128xf32, #tpu.memory_space<hbm>>) target_semaphore(%run_scoped3A_140 : memref<!tpu.dma_semaphore, #tpu.memory_space<semaphore_mem>>)
        %dma_wait3A_146 = arith.constant 9984 : i32
        %dma_wait3A_147 = tpu.memref_slice %arg4[%dma_wait3A_146, %mul3A_0] : memref<10000x256xf32, #tpu.memory_space<hbm>> -> memref<16x128xf32, #tpu.memory_space<hbm>>
        %dma_wait3A_148 = arith.constant 9984 : i32
        %dma_wait3A_149 = arith.constant 0 : i32
        %dma_wait3A_150 = tpu.memref_slice %arg10[%dma_wait3A_148, %dma_wait3A_149] : memref<10000x128xf32, #tpu.memory_space<vmem_shared>> -> memref<16x128xf32, #tpu.memory_space<vmem_shared>>
        tpu.wait_dma2 semaphore(%run_scoped3A_140 : memref<!tpu.dma_semaphore, #tpu.memory_space<semaphore_mem>>) src(%dma_wait3A_150 : memref<16x128xf32, #tpu.memory_space<vmem_shared>>) dst(%dma_wait3A_147 : memref<16x128xf32, #tpu.memory_space<hbm>>)
        tpu.yield
      }) : () -> ()
    } else {
    }
    return
  }
}

module attributes {stable_mosaic.version = 14 : i64} {
  func.func @_project_body(%arg0: i32, %arg1: memref<2000x256xf32, #tpu.memory_space<vmem>>, %arg2: memref<512x256xf32, #tpu.memory_space<vmem>>, %arg3: memref<2000x32xf32, #tpu.memory_space<vmem>>, %arg4: memref<1x512xf32, #tpu.memory_space<vmem>>, %arg5: memref<2000x512xf32, #tpu.memory_space<vmem>>) attributes {dimension_semantics = [#tpu.dimension_semantics<arbitrary>], iteration_bounds = array<i64: 5>, scalar_prefetch = 0 : i64, scratch_operands = 0 : i64, tpu.core_type = #tpu.core_type<tc>, window_params = [{transform_indices = @transform_0, window_bounds = array<i64: 2000, 256>}, {pipeline_mode = #tpu.pipeline_mode<synchronous>, transform_indices = @transform_1, window_bounds = array<i64: 512, 256>}, {transform_indices = @transform_2, window_bounds = array<i64: 2000, 32>}, {pipeline_mode = #tpu.pipeline_mode<synchronous>, transform_indices = @transform_3, window_bounds = array<i64: 1, 512>}, {transform_indices = @transform_4, window_bounds = array<i64: 2000, 512>}]} {
    %get3A = arith.constant 0 : index
    %get3A_0 = arith.constant 0 : index
    %get3A_1 = vector.load %arg1[%get3A, %get3A_0] : memref<2000x256xf32, #tpu.memory_space<vmem>>, vector<2000x256xf32>
    %get3A_2 = arith.constant 0 : index
    %get3A_3 = arith.constant 0 : index
    %get3A_4 = vector.load %arg2[%get3A_2, %get3A_3] : memref<512x256xf32, #tpu.memory_space<vmem>>, vector<512x256xf32>
    %dot_general3A = arith.constant dense<0.000000e+00> : vector<2000x512xf32>
    %dot_general3A_5 = tpu.matmul %get3A_1, %get3A_4, %dot_general3A {dimension_numbers = #tpu.dot_dimension_numbers<[1], [1], [0], [0], [0, 0, 1, 0], [], []>, transpose_lhs_hint = false} : vector<2000x256xf32>, vector<512x256xf32>, vector<2000x512xf32> -> vector<2000x512xf32>
    %get3A_6 = arith.constant 0 : index
    %get3A_7 = arith.constant 0 : index
    %get3A_8 = vector.load %arg4[%get3A_6, %get3A_7] : memref<1x512xf32, #tpu.memory_space<vmem>>, vector<1x512xf32>
    %broadcast_in_dim3A = vector.shape_cast %get3A_8 : vector<1x512xf32> to vector<1x512xf32>
    %broadcast_in_dim3A_9 = vector.broadcast %broadcast_in_dim3A : vector<1x512xf32> to vector<32x512xf32>
    %get3A_10 = arith.constant 0 : index
    %get3A_11 = arith.constant 0 : index
    %get3A_12 = vector.load %arg3[%get3A_10, %get3A_11] : memref<2000x32xf32, #tpu.memory_space<vmem>>, vector<2000x32xf32>
    %dot_general3A_13 = arith.constant dense<0.000000e+00> : vector<2000x512xf32>
    %dot_general3A_14 = tpu.matmul %get3A_12, %broadcast_in_dim3A_9, %dot_general3A_13 {dimension_numbers = #tpu.dot_dimension_numbers<[1], [0], [0], [1], [0, 0, 1, 1], [], []>, precision = #tpu.contract_precision<fp32>, transpose_lhs_hint = false} : vector<2000x32xf32>, vector<32x512xf32>, vector<2000x512xf32> -> vector<2000x512xf32>
    %add3A = arith.addf %dot_general3A_5, %dot_general3A_14 : vector<2000x512xf32>
    %swap3A = arith.constant 0 : index
    %swap3A_15 = arith.constant 0 : index
    %swap3A_16 = vector.load %arg5[%swap3A, %swap3A_15] : memref<2000x512xf32, #tpu.memory_space<vmem>>, vector<2000x512xf32>
    tpu.vector_store %arg5[%swap3A, %swap3A_15], %add3A {strides = array<i32>} : memref<2000x512xf32, #tpu.memory_space<vmem>>, vector<2000x512xf32>,
    return
  }
  func.func @transform_0(%arg0: i32) -> (i32, i32) {
    %c0_i32 = arith.constant 0 : i32
    %c0_i32_0 = arith.constant 0 : i32
    return %arg0, %c0_i32 : i32, i32
  }
  func.func @transform_1(%arg0: i32) -> (i32, i32) {
    %c0_i32 = arith.constant 0 : i32
    %c0_i32_0 = arith.constant 0 : i32
    %c0_i32_1 = arith.constant 0 : i32
    return %c0_i32, %c0_i32_0 : i32, i32
  }
  func.func @transform_2(%arg0: i32) -> (i32, i32) {
    %c0_i32 = arith.constant 0 : i32
    %c0_i32_0 = arith.constant 0 : i32
    return %arg0, %c0_i32 : i32, i32
  }
  func.func @transform_3(%arg0: i32) -> (i32, i32) {
    %c0_i32 = arith.constant 0 : i32
    %c0_i32_0 = arith.constant 0 : i32
    %c0_i32_1 = arith.constant 0 : i32
    return %c0_i32, %c0_i32_0 : i32, i32
  }
  func.func @transform_4(%arg0: i32) -> (i32, i32) {
    %c0_i32 = arith.constant 0 : i32
    %c0_i32_0 = arith.constant 0 : i32
    return %arg0, %c0_i32 : i32, i32
  }
}

</mosaic_0001>

<sc_bundles>
// kernel: kernel.4.cloned.1.call-start
scs
__scs_entry_jumppad:
0x0: {  	(pc) =	sbr.rel $0x88, $3  }
0x1: {  	(tag) =	ssettag $0x0;
	lr =	simm.s32 $0x1  }
0x2: {  	[smem:$0x3F9D] =	sst lr;
	_ =	strace $0xD0000000  }
0x3: {  	_ = 	snop  }
0x4: {  	_ = 	snop  }
0x5: {  	_ = 	snop  }
0x6: {  	_ = 	snop  }
0x7: {  	_ = 	snop  }
__scs_overlays_trampoline_lowered:
0x8: {  	[smem:$0x3FAC] =	sst s0  }
0x9: {  	[smem:$0x3FAD] =	sst s1  }
0xa: {  	[smem:$0x3FAE] =	sst s2  }
0xb: {  	[smem:$0x3FAF] =	sst s3  }
0xc: {  	[smem:$0x3FB0] =	sst s4  }
0xd: {  	[smem:$0x3FB1] =	sst s5  }
0xe: {  	[smem:$0x3FB2] =	sst s6  }
0xf: {  	[smem:$0x3FB3] =	sst s7  }
0x10: {  	[smem:$0x3FB4] =	sst s8  }
0x11: {  	[smem:$0x3FB5] =	sst s9;
	s0 =	simm.s32 @!p0 $0x0  }
0x12: {  	s1 =	sld [smem:$0x3F9B];
	s0 =	simm.s32 @p0 $0x1  }
0x13: {  	[smem:$0x3FB6] =	sst s0;
	s0 =	simm.s32 @!p1 $0x0  }
0x14: {  	s2 =	sld [smem:$0x3F9A];
	s0 =	simm.s32 @p1 $0x1  }
0x15: {  	[smem:$0x3FB7] =	sst s0;
	s0 =	simm.s32 @!p2 $0x0  }
0x16: {  	s3 =	sld [smem:$0x3FDB];
	s0 =	simm.s32 @p2 $0x1  }
0x17: {  	s4 =	simm.s32 $0x1BF5;
	[smem:$0x3FB9] =	sst s0  }
0x18: {  	s0 =	sld [smem:$0x3F9C];
	_ =	swait.ge [sflag:s4], $0x0  }
0x19: {  	s7 =	sld [smem:$0x3F9D]  }
0x1a: {  	s8 =	sadd.s32 $0xFFFFE003, lr  }
0x1b: {  	s9 =	sadd.s32 $0xFFFFFEF7, lr;
	s5 =	simm.s32 $0xFFFFFFFF;
	p2 =	slt.u32 s8, $0xFFFFF086  }
0x1c: {  	p1 =	slt.u32 s9, $0xF7A;
	s5 =	simm.s32 @!p2 $0x0  }
0x1d: {  	s5 =	simm.s32 @p1 $0x1;
	p0 =	seq.s32 s7, s2  }
0x1e: {  	s7 =	smul.u32 @!p0 $0xF7A, s2;
	p2 =	seq.s32 @!p0 s5, $0x0  }
0x1f: {  	s9 =	smul.u32 $0xF7A, s1;
	s8 =	simm.s32 @!p0 $0x1BF5;
	p2 =	por !p2, p0  }
0x20: {  	[sflag:s8] =	ssyncset.s32 @!p0 $0xFFFFF086;
	s6 =	sadd.s32 @!p0 s3, s7;
	s7 =	simm.s32 @!p0 $0x108  }
0x21: {  	s3 =	sadd.s32 s3, s9;
	s6 =	sadd.s32 @!p0 $0x88, s6;
	s7 =	simm.s32 @p2 $0x1082  }
0x22: {  	[simem:s7], [sflag:s8] =	dma.local @!p0 [hbm:s6], $0xF7A  }
0x23: {  	s9 =	sor.u32 $0xD0000000, s2;
	s6 =	simm.s32 $0x108;
	_ =	swait.ge @!p0 [sflag:s8], $0x0  }
0x24: {  	s3 =	sadd.s32 $0x88, s3;
	s6 =	simm.s32 @!p1 $0x1082;
	[sflag:s4] =	ssyncset.s32 $0xFFFFF086  }
0x25: {  	[simem:s6], [sflag:s4] =	dma.local [hbm:s3], $0xF7A  }
0x26: {  	[smem:$0x3F9D] =	sst s1;
	(tag) =	ssettag s2;
	_ =	strace s9  }
0x27: {  	s1 =	sld [smem:$0x3FAD]  }
0x28: {  	s2 =	sld [smem:$0x3FAE]  }
0x29: {  	s4 =	sld [smem:$0x3FB0]  }
0x2a: {  	p0 =	seq.s32 s5, $0x0;
	s5 =	sld [smem:$0x3FB1]  }
0x2b: {  	s6 =	sld [smem:$0x3FB2]  }
0x2c: {  	s7 =	sld [smem:$0x3FB3]  }
0x2d: {  	s3 =	simm.s32 $0x108;
	s8 =	sld [smem:$0x3FB4]  }
0x2e: {  	s3 =	simm.s32 @!p0 $0x1082;
	s9 =	sld [smem:$0x3FB5]  }
0x2f: {  	lr =	sadd.s32 s0, s3;
	s0 =	sld [smem:$0x3FAC]  }
0x30: {  	s3 =	sld [smem:$0x3FAF]  }
0x31: {  	[smem:$0x3FB8] =	sst s10  }
0x32: {  	s10 =	sld [smem:$0x3FB6];
	_ =	sdelay $0x3  }
0x33: {  	p0 =	seq.s32 s10, $0x1;
	s10 =	sld [smem:$0x3FB8];
	_ =	sdelay $0x3  }
0x34: {  	[smem:$0x3FB8] =	sst s10  }
0x35: {  	s10 =	sld [smem:$0x3FB7];
	_ =	sdelay $0x3  }
0x36: {  	p1 =	seq.s32 s10, $0x1;
	s10 =	sld [smem:$0x3FB8];
	_ =	sdelay $0x3  }
0x37: {  	[smem:$0x3FB8] =	sst s10  }
0x38: {  	s10 =	sld [smem:$0x3FB9]  }
0x39: {  	_ = 	snop;
	(pc) =	sbr.ind lr, $3  }
0x3a: {  	_ = 	snop  }
0x3b: {  	_ = 	snop  }
0x3c: {  	p2 =	seq.s32 s10, $0x1;
	s10 =	sld [smem:$0x3FB8]  }
0x3d: {  	_ =	shalt  }
0x3e: {  	_ =	shalt  }
0x3f: {  	_ =	shalt  }
0x40: {  	_ =	shalt  }
0x41: {  	_ =	shalt  }
0x42: {  	_ =	shalt  }
0x43: {  	_ =	shalt  }
0x44: {  	_ =	shalt  }
0x45: {  	_ =	shalt  }
0x46: {  	_ =	shalt  }
0x47: {  	_ =	shalt  }
0x48: {  	_ =	shalt  }
0x49: {  	_ =	shalt  }
0x4a: {  	_ =	shalt  }
0x4b: {  	_ =	shalt  }
0x4c: {  	_ =	shalt  }
0x4d: {  	_ =	shalt  }
0x4e: {  	_ =	shalt  }
0x4f: {  	_ =	shalt  }
0x50: {  	_ =	shalt  }
0x51: {  	_ =	shalt  }
0x52: {  	_ =	shalt  }
0x53: {  	_ =	shalt  }
0x54: {  	_ =	shalt  }
0x55: {  	_ =	shalt  }
0x56: {  	_ =	shalt  }
0x57: {  	_ =	shalt  }
0x58: {  	_ =	shalt  }
0x59: {  	_ =	shalt  }
0x5a: {  	_ =	shalt  }
0x5b: {  	_ =	shalt  }
0x5c: {  	_ =	shalt  }
0x5d: {  	_ =	shalt  }
0x5e: {  	_ =	shalt  }
0x5f: {  	_ =	shalt  }
0x60: {  	_ =	shalt  }
0x61: {  	_ =	shalt  }
0x62: {  	_ =	shalt  }
0x63: {  	_ =	shalt  }
0x64: {  	_ =	shalt  }
0x65: {  	_ =	shalt  }
0x66: {  	_ =	shalt  }
0x67: {  	_ =	shalt  }
0x68: {  	_ =	shalt  }
0x69: {  	_ =	shalt  }
0x6a: {  	_ =	shalt  }
0x6b: {  	_ =	shalt  }
0x6c: {  	_ =	shalt  }
0x6d: {  	_ =	shalt  }
0x6e: {  	_ =	shalt  }
0x6f: {  	_ =	shalt  }
0x70: {  	_ =	shalt  }
0x71: {  	_ =	shalt  }
0x72: {  	_ =	shalt  }
0x73: {  	_ =	shalt  }
0x74: {  	_ =	shalt  }
0x75: {  	_ =	shalt  }
0x76: {  	_ =	shalt  }
0x77: {  	_ =	shalt  }
0x78: {  	_ =	shalt  }
0x79: {  	_ =	shalt  }
0x7a: {  	_ =	shalt  }
0x7b: {  	_ =	shalt  }
0x7c: {  	_ =	shalt  }
0x7d: {  	_ =	shalt  }
0x7e: {  	_ =	shalt  }
0x7f: {  	_ =	shalt  }
0x80: {  	_ =	shalt  }
0x81: {  	_ =	shalt  }
0x82: {  	_ =	shalt  }
0x83: {  	_ =	shalt  }
0x84: {  	_ =	shalt  }
0x85: {  	_ =	shalt  }
0x86: {  	_ =	shalt  }
0x87: {  	_ =	shalt  }
.Lfunc_end0:
.L_simem_size_0:
called_computation_lowered:
.L_overlay_start_0:
0x88: {  	s2 =	sld [smem:$0x3FD9]  }
0x89: {  	s3 =	sld [smem:$0x3FFE];
	_ =	sdelay $0x1  }
0x8a: {  	s1 =	srdreg.scid  }
0x8b: {  	s0 =	sand.u32 $0x1, s1  }
0x8c: {  	s17 =	sshll.u32 s0, $0xA;
	s2 =	sadd.s32 s3, s2  }
0x8d: {  	s2 =	sadd.s32 s2, s17  }
0x8e: {  	[smem:$0x3FC4] =	sst s2  }
0x8f: {  	_ = 	snop  }
0x90: {  	s2 =	sld [smem:$0x3FC9]  }
0x91: {  	s18 =	sld [smem:$0x3FC8]  }
0x92: {  	s4 =	sld [smem:$0x3FD0];
	(tm) =	ssettm $0x1  }
0x93: {  	s5 =	sld [smem:$0x3FFB];
	_ =	sdelay $0x3  }
0x94: {  	_ =	strace s5  }
0x95: {  	s5 =	sld [smem:$0x3FFC];
	_ =	sdelay $0x3  }
0x96: {  	_ =	strace s5  }
0x97: {  	s5 =	sld [smem:$0x3FFD];
	_ =	sdelay $0x3  }
0x98: {  	_ =	strace s5  }
0x99: {  	_ =	strace $0x8FFFFFFF  }
0x9a: {  	s19 =	sld [smem:$0x3FDB];
	_ =	sdelay $0x1  }
0x9b: {  	s6 =	simm.s32 $_scs_section_size  }
0x9c: {  	s7 =	simm.s32 $_size__tile_overlayer_lowered;
	s8 =	simm.s32 $_tile_overlayer_lowered  }
0x9d: {  	s22 =	simm.s32 $0x1BFF;
	s21 =	sshll.u32 s8, $0x1;
	s5 =	sadd.s32 s6, s19  }
0x9e: {  	s9 =	simm.s32 $0x0;
	s20 =	sshll.u32 s7, $0x1;
	s7 =	sadd.s32 s21, s5  }
0x9f: {  	[timem:s9], [sflag:s22] =	dma.local [hbm:s7], s20  }
0xa0: {  	_ =	swait.ge [sflag:s22], s20  }
0xa1: {  	s6 =	ssub.s32 $0x0, s20;
	[sflag:s22] =	ssyncset.done $0x0  }
0xa2: {  	[sflag:s22] =	ssyncadd.s32 s6;
	_ =	sdelay $0x1  }
0xa3: {  	s23 =	simm.s32 $0x1B8B  }
0xa4: {  	_ =	swait.ge [sflag:s23], $0x1  }
0xa5: {  	[sflag:s23] =	ssyncset.done $0x0  }
0xa6: {  	s25 =	simm.s32 $0x1B8E;
	s24 =	sld [smem:$0x3FFE];
	[sflag:s23] =	ssyncadd.s32 $0xFFFFFFFF  }
0xa7: {  	s26 =	simm.s32 $execute0_lowered;
	[smem:$0x3FD2] =	sst s25  }
0xa8: {  	s7 =	sshll.u32 s26, $0x1;
	_ =	strace $0x80000046;
	[dreg:$0x1] =	wrdreg $0xFFFFFFFF  }
0xa9: {  	s28 =	simm.s32 $_size_execute0_lowered;
	s5 =	sadd.s32 s5, s7;
	[dreg:$0x0] =	wrdreg $0x0  }
0xaa: {  	s7 =	sshll.u32 s28, $0x1;
	[dreg:$0x2] =	wrdreg s5  }
0xab: {  	[dreg:$0x3] =	wrdreg s7  }
0xac: {  	[dreg:$0x4] =	wrdreg $0xC0  }
0xad: {  	_ =	task [dreg:s9], $0x5FFFF  }
0xae: {  	[dreg:$0x1] =	wrdreg $0xFFFFFFFF  }
0xaf: {  	[dreg:$0x0] =	wrdreg $0x60  }
0xb0: {  	[dreg:$0x2] =	wrdreg s2  }
0xb1: {  	[dreg:$0x3] =	wrdreg s18  }
0xb2: {  	[dreg:$0x4] =	wrdreg s4  }
0xb3: {  	[dreg:$0x5] =	wrdreg s24  }
0xb4: {  	[dreg:$0x6] =	wrdreg $0xA9000  }
0xb5: {  	[dreg:$0x7] =	wrdreg $0x9  }
0xb6: {  	_ =	task.clear_ibuf [dreg:s9], $0x8FFFF;
	_ =	strace $0x90000046  }
0xb7: {  	s29 =	simm.s32 $0x9;
	_ =	strace $0x80000048  }
0xb8: {  	_ =	swait.ge [sflag:s29], $0x1  }
0xb9: {  	[sflag:s29] =	ssyncadd.s32 $0xFFFFFFFF  }
0xba: {  	_ =	strace $0x90000048  }
0xbb: {  	_ =	sfence  }
0xbc: {  	s30 =	sld [smem:$0x0];
	_ =	sdelay $0x2  }
0xbd: {  	s31 =	sshll.u32 s1, $0xD;
	s1 =	sshrl.u32 s1, $0x2  }
0xbe: {  	s3 =	sand.u32 $0x4000, s31;
	s1 =	sadd.s32 s1, s30  }
0xbf: {  	s0 =	sor.u32 s3, s0;
	s1 =	sshll.u32 s1, $0x11  }
0xc0: {  	s0 =	sor.u32 s1, s0  }
0xc1: {  	s0 =	sadd.s32 $0x8F2B, s0  }
0xc2: {  	[sflag:s0] =	ssyncadd.remote.s32 $0x1  }
0xc3: {  	_ =	sfence.sel $0xFFFF  }
0xc4: {  	[dreg:$0x0] =	wrdreg $0xFFFFFFFF;
	(pc) =	sbr.abs _section_cstart, $3  }
0xc5: {  	[dreg:$0x1] =	wrdreg $0xFFFFFFFF  }
0xc6: {  	_ =	task.clear_ibuf [dreg:s9], $0x2FFFF;
	_ =	strace $0x9FFFFFFF  }
0xc7: {  	(tm) =	ssettm $0x7FFFFFFF  }
tec
execute0_lowered:
.L_overlay_start_1:
0x0: {  	(tag) =	ssettag $0x1  }
0x1: {  	s0 =	rddreg [dreg:$0x0]  }
0x2: {  	s1 =	rddreg [dreg:$0x1]  }
0x3: {  	s2 =	srdreg.scid;
	s3 =	rddreg [dreg:$0x2]  }
0x4: {  	s6 =	rddreg [dreg:$0x3];
	s14 =	stileid.u32  }
0x5: {  	s4 =	rddreg [dreg:$0x4];
	s28 =	simm.s32 $0x8080;
	s29 =	simm.s32 $0x4000  }
0x6: {  	s30 =	simm.s32 $0x3;
	s31 =	simm.s32 $0x1;
	s9 =	smul.u32 $0x4E000, s14  }
0x7: {  	s2 =	sand.u32 $0x1, s2;
	s8 =	sshll.u32 s14, $0x7;
	s21 =	smul.u32 $0x2710, s14  }
0x8: {  	s25 =	smul.u32 $0x271000, s14;
	p0 =	sne.s32 s14, $0xF;
	s5 =	sshll.u32 s2, $0x4  }
0x9: {  	s8 =	sand.u32 $0x380, s8;
	s20 =	ssub.s32 $0x2, s2;
	s12 =	sshll.u32 s2, $0xA  }
0xa: {  	p1 =	seq.s32 s2, $0x0;
	s5 =	sor.u32 s14, s5;
	s9 =	sshrl.u32 s9, $0x2  }
0xb: {  	s10 =	sshrl.u32 s20, $0x1;
	s13 =	sshrl.u32 s21, $0x3;
	s15 =	sadd.s32 $0x80, s21  }
0xc: {  	s18 =	sadd.s32 $0x100, s21;
	s19 =	sadd.s32 $0x2700, s21;
	s7 =	sshrl.u32 s5, $0x3  }
0xd: {  	s5 =	simm.s32 $0x0;
	s13 =	sadd.s32 s1, s13;
	s26 =	sshll.u32 s15, $0x8  }
0xe: {  	s16 =	sshrl.u32 s15, $0x3;
	s7 =	smul.u32 $0x13C00, s7;
	[smem:$0x7FF] =	sst s5  }
0xf: {  	_ =	strace $0x80000047;
	[dreg:$0xc] =	wrdreg s13;
	s13 =	sor.u32 s12, s26  }
0x10: {  	s7 =	sor.u32 s8, s7;
	s8 =	ssub.s32 s20, s10;
	s10 =	sor.u32 s12, s25  }
0x11: {  	[dreg:$0x6] =	wrdreg s18;
	s7 =	sshrl.u32 s7, $0x3;
	s10 =	sshrl.u32 s10, $0x3  }
0x12: {  	s18 =	smul.u32 $0x27000, s14;
	s7 =	sadd.s32 s7, s6;
	s10 =	sadd.s32 s0, s10  }
0x13: {  	s6 =	sadd.s32 s9, s4;
	s9 =	sadd.s32 $0x180, s21;
	[dreg:$0xd] =	wrdreg s10  }
0x14: {  	s26 =	sshll.u32 s2, $0x7;
	s22 =	sadd.s32 $0x4000, s6;
	[dreg:$0x7] =	wrdreg s9  }
0x15: {  	s2 =	simm.s32 $0x4;
	s23 =	sadd.s32 $0x8000, s6;
	[dreg:$0x8] =	wrdreg s22  }
0x16: {  	s17 =	sshrl.u32 s13, $0x3;
	s24 =	sadd.s32 $0xC000, s6;
	[dreg:$0x9] =	wrdreg s23  }
0x17: {  	s20 =	sshll.u32 s19, $0x8;
	s11 =	sadd.s32 $0x10000, s6;
	[dreg:$0xa] =	wrdreg s24  }
0x18: {  	s21 =	sshrl.u32 s19, $0x3;
	s10 =	sadd.s32 s1, s16;
	[dreg:$0xb] =	wrdreg s11  }
0x19: {  	s9 =	sadd.s32 s1, s21;
	s11 =	sadd.s32 $0x138000, s4;
	[dreg:$0xe] =	wrdreg s10  }
0x1a: {  	s10 =	sadd.s32 s0, s17;
	s22 =	sor.u32 s12, s20;
	[dreg:$0x10] =	wrdreg s9  }
0x1b: {  	s24 =	sor.u32 s12, s18;
	s20 =	sadd.s32 $0xE00, s7;
	s7 =	simm.s32 $0x2  }
0x1c: {  	s9 =	simm.s32 $0x0;
	[dreg:$0xf] =	wrdreg s10;
	s23 =	sshrl.u32 s22, $0x3  }
0x1d: {  	s25 =	sshrl.u32 s24, $0x3;
	s22 =	smax.u32 s8, $0x1;
	s24 =	simm.s32 $0x8000  }
0x1e: {  	s8 =	simm.s32 $0x8100;
	s18 =	sadd.s32 s0, s23;
	s19 =	sadd.s32 s3, s25  }
0x1f: {  	s3 =	sadd.s32 s26, s3;
	s23 =	simm.s32 $0x5;
	s25 =	simm.s32 $0x400  }
0x20: {  	v0 =	vimm.f32 $0.0e+00;
	s26 =	simm.s32 $0x800;
	s21 =	sadd.s32 $0x4E000, s3;
	s3 =	simm.s32 $0x80  }
.LBB2_1:
0x21: {  	s10 =	simm.s32 $0x0;
	s13 =	simm.s32 $0x200  }
.LBB2_2:
0x22: {  	p2 =	sne.s32 s13, $0xFE00;
	[tilespmem:s10+$0x70] =	vst v0  }
0x23: {  	[tilespmem:s10+$0x0] =	vst v0  }
0x24: {  	[tilespmem:s10+$0x10] =	vst v0  }
.Ltmp0:
0x25: {  	[tilespmem:s10+$0x20] =	vst v0;
	(pc) =	sbr.rel @p2 .LBB2_2-.Ltmp0, $4  }
0x26: {  	[tilespmem:s10+$0x30] =	vst v0  }
0x27: {  	[tilespmem:s10+$0x40] =	vst v0  }
0x28: {  	[tilespmem:s10+$0x50] =	vst v0  }
0x29: {  	[tilespmem:s10+$0x60] =	vst v0;
	s10 =	sshra.s32 s13, $0x2;
	s13 =	sadd.s32 $0x200, s13  }
0x2a: {  	[tilespmem:s10+$0x70] =	vst v0  }
0x2b: {  	[tilespmem:s10+$0x0] =	vst v0  }
0x2c: {  	[tilespmem:s10+$0x10] =	vst v0  }
0x2d: {  	[tilespmem:s10+$0x20] =	vst v0  }
0x2e: {  	[tilespmem:s10+$0x30] =	vst v0  }
0x2f: {  	[tilespmem:s10+$0x40] =	vst v0  }
0x30: {  	[tilespmem:s10+$0x50] =	vst v0  }
0x31: {  	[tilespmem:s10+$0x60] =	vst v0;
	s10 =	simm.s32 $0x40;
	s13 =	simm.s32 $0x0  }
.LBB2_4:
0x32: {  	p2 =	sne.s32 s10, $0x9C00;
	[tilespmem:s13+$0x8180] =	vst v0;
	s13 =	smov.u32 s10;
	s10 =	sadd.s32 $0x40, s10  }
.Ltmp1:
0x33: {  	(pc) =	sbr.rel @p2 .LBB2_4-.Ltmp1, $2  }
0x34: {  	_ =	sdelay $0x2  }
0x35: {  	s13 =	sshra.s32 s13, $0x2  }
0x36: {  	[tilespmem:s13+$0x8180] =	vst v0  }
0x37: {  	[spmem:s6] =	stream.linear.scatter [tilespmem:s5], [sflag:$0x5], $0x4000, $0x38;
	[tilespmem:$0x1E180] =	vst v63  }
0x38: {  	_ =	swait.ge [sflag:s23], $0x4000  }
0x39: {  	[sflag:s23] =	ssyncset.done $0x0  }
0x3a: {  	s10 =	rddreg [dreg:$0x8];
	[sflag:s23] =	ssyncadd.s32 $0xFFFFC000  }
0x3b: {  	[spmem:s10] =	stream.linear.scatter [tilespmem:s5], [sflag:$0x5], $0x4000, $0x38;
	[tilespmem:$0x1E180] =	vst v63  }
0x3c: {  	_ =	swait.ge [sflag:s23], $0x4000  }
0x3d: {  	[sflag:s23] =	ssyncset.done $0x0  }
0x3e: {  	s16 =	rddreg [dreg:$0x9];
	[sflag:s23] =	ssyncadd.s32 $0xFFFFC000  }
0x3f: {  	[spmem:s16] =	stream.linear.scatter [tilespmem:s5], [sflag:$0x5], $0x4000, $0x38;
	[tilespmem:$0x1E180] =	vst v63  }
0x40: {  	_ =	swait.ge [sflag:s23], $0x4000  }
0x41: {  	[sflag:s23] =	ssyncset.done $0x0  }
0x42: {  	s17 =	rddreg [dreg:$0xa];
	[sflag:s23] =	ssyncadd.s32 $0xFFFFC000  }
0x43: {  	[spmem:s17] =	stream.linear.scatter [tilespmem:s5], [sflag:$0x5], $0x4000, $0x38;
	[tilespmem:$0x1E180] =	vst v63  }
0x44: {  	_ =	swait.ge [sflag:s23], $0x4000  }
0x45: {  	[sflag:s23] =	ssyncset.done $0x0  }
0x46: {  	s13 =	rddreg [dreg:$0xb];
	[sflag:s23] =	ssyncadd.s32 $0xFFFFC000  }
0x47: {  	[spmem:s13] =	stream.linear.scatter [tilespmem:s5], [sflag:$0x5], $0x3800, $0x38;
	[tilespmem:$0x1E180] =	vst v63  }
0x48: {  	_ =	swait.ge [sflag:s23], $0x3800  }
0x49: {  	[sflag:s23] =	ssyncset.done $0x0  }
0x4a: {  	s10 =	simm.s32 @!p0 $0x0;
	[sflag:s23] =	ssyncadd.s32 $0xFFFFC800  }
0x4b: {  	[spmem:s11] =	stream.linear.scatter @!p0 [tilespmem:s10], [sflag:$0x5], $0x800, $0x38;
	[tilespmem:$0x1E180] =	vst v63  }
0x4c: {  	s10 =	simm.s32 @!p0 $0x5  }
0x4d: {  	_ =	swait.ge @!p0 [sflag:s10], $0x800  }
0x4e: {  	[sflag:s10] =	ssyncset.done @!p0 $0x0  }
0x4f: {  	s14 =	rddreg [dreg:$0xc];
	[sflag:s10] =	ssyncadd.s32 @!p0 $0xFFFFF800;
	s10 =	simm.s32 $0x0  }
0x50: {  	[tilespmem:s24], [sflag:$0x3] =	stream.linear.gather [hbm4b:s14+s10], $0x80, $0x38;
	[tilespmem:$0x1E180] =	vst v63  }
0x51: {  	s15 =	rddreg [dreg:$0xd]  }
0x52: {  	[tilespmem:s10], [sflag:$0x1] =	stream.strided.gather [hbm4b:s15+s25], $0x4000, s26, s25, $0x38;
	[tilespmem:$0x1E180] =	vst v63  }
0x53: {  	s16 =	rddreg [dreg:$0xe]  }
0x54: {  	[tilespmem:s28], [sflag:$0x4] =	stream.linear.gather [hbm4b:s16+s10], $0x80, $0x38;
	[tilespmem:$0x1E180] =	vst v63  }
0x55: {  	s17 =	rddreg [dreg:$0xf]  }
0x56: {  	[tilespmem:s29], [sflag:$0x2] =	stream.strided.gather [hbm4b:s17+s25], $0x4000, s26, s25, $0x38;
	[tilespmem:$0x1E180] =	vst v63  }
0x57: {  	s13 =	simm.s32 $0x0;
	[bflag:$0x0] =	sbarrier.arrive $0xFFFF  }
.LBB2_6:
0x58: {  	_ =	swait.ge [sflag:s30], $0x80  }
0x59: {  	[sflag:s30] =	ssyncset.done $0x0  }
0x5a: {  	[sflag:s30] =	ssyncadd.s32 $0xFFFFFF80  }
0x5b: {  	_ =	swait.ge [sflag:s31], $0x4000  }
0x5c: {  	[sflag:s31] =	ssyncset.done $0x0  }
0x5d: {  	p2 =	sgt.u32 s13, $0x13;
	[sflag:s31] =	ssyncadd.s32 $0xFFFFC000  }
0x5e: {  	[spmem:s4] =	stream.indirect.scatter.add.f32 [tilespmem:s5], [sflag:$0x5], $0x80, s24, s3, $0xb8;
	[tilespmem:$0x1E180] =	vst v63  }
0x5f: {  	s14 =	simm.s32 $0x1;
	s15 =	simm.s32 $0x1;
	_ =	swait.ge [sflag:s23], $0x4000  }
0x60: {  	s14 =	simm.s32 @!p2 $0x0;
	s15 =	simm.s32 @!p1 $0x0;
	[sflag:s23] =	ssyncset.done $0x0  }
0x61: {  	p2 =	seq.s32 s15, s14;
	[sflag:s23] =	ssyncadd.s32 $0xFFFFC000  }
0x62: {  	v1 =	vld @!p2 [tilespmem:$0x8000];
	_ =	sdelay $0x6  }
0x63: {  	v2 =	vimm.f32 @!p2 $1.000000000e+00;
	s14 =	simm.s32 @!p2 $0x8180  }
0x64: {  	[tilespmem:v1+s14+$0x0] =	vst.idx.add.f32.msk @!p2 $0xffff, v2  }
0x65: {  	v1 =	vld @!p2 [tilespmem:$0x8010];
	_ =	sdelay $0x7  }
0x66: {  	[tilespmem:v1+s14+$0x0] =	vst.idx.add.f32.msk @!p2 $0xffff, v2  }
0x67: {  	v1 =	vld @!p2 [tilespmem:$0x8020];
	_ =	sdelay $0x7  }
0x68: {  	[tilespmem:v1+s14+$0x0] =	vst.idx.add.f32.msk @!p2 $0xffff, v2  }
0x69: {  	v1 =	vld @!p2 [tilespmem:$0x8030];
	_ =	sdelay $0x7  }
0x6a: {  	[tilespmem:v1+s14+$0x0] =	vst.idx.add.f32.msk @!p2 $0xffff, v2  }
0x6b: {  	v1 =	vld @!p2 [tilespmem:$0x8040];
	_ =	sdelay $0x7  }
0x6c: {  	[tilespmem:v1+s14+$0x0] =	vst.idx.add.f32.msk @!p2 $0xffff, v2  }
0x6d: {  	v1 =	vld @!p2 [tilespmem:$0x8050];
	_ =	sdelay $0x7  }
0x6e: {  	[tilespmem:v1+s14+$0x0] =	vst.idx.add.f32.msk @!p2 $0xffff, v2  }
0x6f: {  	v1 =	vld @!p2 [tilespmem:$0x8060];
	_ =	sdelay $0x7  }
0x70: {  	[tilespmem:v1+s14+$0x0] =	vst.idx.add.f32.msk @!p2 $0xffff, v2  }
0x71: {  	v1 =	vld @!p2 [tilespmem:$0x8070];
	_ =	sdelay $0x3  }
0x72: {  	s17 =	smin.u32 s10, $0x4B  }
0x73: {  	s17 =	sshll.u32 s17, $0x7;
	s16 =	rddreg [dreg:$0x6]  }
0x74: {  	s16 =	sadd.s32 s17, s16  }
0x75: {  	s17 =	sshrl.u32 s16, $0x3;
	s16 =	sshll.u32 s16, $0x8  }
0x76: {  	s17 =	sadd.s32 s1, s17;
	[tilespmem:v1+s14+$0x0] =	vst.idx.add.f32.msk @!p2 $0xffff, v2;
	s14 =	sor.u32 s12, s16  }
0x77: {  	[tilespmem:s24], [sflag:$0x3] =	stream.linear.gather [hbm4b:s17+s5], $0x80, $0x38;
	[tilespmem:$0x1E180] =	vst v63  }
0x78: {  	s14 =	sshrl.u32 s14, $0x3  }
0x79: {  	s14 =	sadd.s32 s0, s14  }
0x7a: {  	[tilespmem:s5], [sflag:$0x1] =	stream.strided.gather [hbm4b:s14+s25], $0x4000, s26, s25, $0x38;
	[tilespmem:$0x1E180] =	vst v63  }
0x7b: {  	_ =	swait.ge [sflag:s2], $0x80  }
0x7c: {  	[sflag:s2] =	ssyncset.done $0x0  }
0x7d: {  	[sflag:s2] =	ssyncadd.s32 $0xFFFFFF80  }
0x7e: {  	_ =	swait.ge [sflag:s7], $0x4000  }
0x7f: {  	[sflag:s7] =	ssyncset.done $0x0  }
0x80: {  	[sflag:s7] =	ssyncadd.s32 $0xFFFFC000  }
0x81: {  	[spmem:s4] =	stream.indirect.scatter.add.f32 [tilespmem:s29], [sflag:$0x5], $0x80, s28, s3, $0xb8;
	[tilespmem:$0x1E180] =	vst v63  }
0x82: {  	p2 =	sgt.u32 s13, $0x12;
	s14 =	simm.s32 $0x1;
	_ =	swait.ge [sflag:s23], $0x4000  }
0x83: {  	s14 =	simm.s32 @!p2 $0x0;
	[sflag:s23] =	ssyncset.done $0x0  }
0x84: {  	p2 =	seq.s32 s15, s14;
	[sflag:s23] =	ssyncadd.s32 $0xFFFFC000  }
0x85: {  	v1 =	vld @!p2 [tilespmem:$0x8080];
	_ =	sdelay $0x6  }
0x86: {  	v2 =	vimm.f32 @!p2 $1.000000000e+00;
	s14 =	simm.s32 @!p2 $0x8180  }
0x87: {  	[tilespmem:v1+s14+$0x0] =	vst.idx.add.f32.msk @!p2 $0xffff, v2  }
0x88: {  	v1 =	vld @!p2 [tilespmem:$0x8090];
	_ =	sdelay $0x7  }
0x89: {  	[tilespmem:v1+s14+$0x0] =	vst.idx.add.f32.msk @!p2 $0xffff, v2  }
0x8a: {  	v1 =	vld @!p2 [tilespmem:$0x80A0];
	_ =	sdelay $0x7  }
0x8b: {  	[tilespmem:v1+s14+$0x0] =	vst.idx.add.f32.msk @!p2 $0xffff, v2  }
0x8c: {  	v1 =	vld @!p2 [tilespmem:$0x80B0];
	_ =	sdelay $0x7  }
0x8d: {  	[tilespmem:v1+s14+$0x0] =	vst.idx.add.f32.msk @!p2 $0xffff, v2  }
0x8e: {  	v1 =	vld @!p2 [tilespmem:$0x80C0];
	_ =	sdelay $0x7  }
0x8f: {  	[tilespmem:v1+s14+$0x0] =	vst.idx.add.f32.msk @!p2 $0xffff, v2  }
0x90: {  	v1 =	vld @!p2 [tilespmem:$0x80D0];
	_ =	sdelay $0x7  }
0x91: {  	[tilespmem:v1+s14+$0x0] =	vst.idx.add.f32.msk @!p2 $0xffff, v2  }
0x92: {  	v1 =	vld @!p2 [tilespmem:$0x80E0];
	_ =	sdelay $0x7  }
0x93: {  	[tilespmem:v1+s14+$0x0] =	vst.idx.add.f32.msk @!p2 $0xffff, v2  }
0x94: {  	v1 =	vld @!p2 [tilespmem:$0x80F0];
	_ =	sdelay $0x4  }
0x95: {  	s17 =	smin.u32 s10, $0x4A  }
0x96: {  	s16 =	sshll.u32 s17, $0x7;
	s15 =	rddreg [dreg:$0x7]  }
0x97: {  	s13 =	sadd.s32 $0x1, s13;
	s15 =	sadd.s32 s16, s15  }
0x98: {  	s16 =	sshrl.u32 s15, $0x3;
	s17 =	sshll.u32 s15, $0x8;
	[tilespmem:v1+s14+$0x0] =	vst.idx.add.f32.msk @!p2 $0xffff, v2;
	p2 =	sne.s32 s13, $0x27  }
.Ltmp2:
0x99: {  	s16 =	sadd.s32 s1, s16;
	s14 =	sor.u32 s12, s17;
	(pc) =	sbr.rel @p2 .LBB2_6-.Ltmp2, $4  }
0x9a: {  	[tilespmem:s28], [sflag:$0x4] =	stream.linear.gather [hbm4b:s16+s5], $0x80, $0x38;
	[tilespmem:$0x1E180] =	vst v63  }
0x9b: {  	s14 =	sshrl.u32 s14, $0x3  }
0x9c: {  	s10 =	sadd.s32 $0x2, s10;
	s14 =	sadd.s32 s0, s14  }
0x9d: {  	[tilespmem:s29], [sflag:$0x2] =	stream.strided.gather [hbm4b:s14+s25], $0x4000, s26, s25, $0x38;
	[tilespmem:$0x1E180] =	vst v63  }
0x9e: {  	_ =	swait.ge [sflag:s30], $0x80  }
0x9f: {  	[sflag:s30] =	ssyncset.done $0x0  }
0xa0: {  	[sflag:s30] =	ssyncadd.s32 $0xFFFFFF80  }
0xa1: {  	_ =	swait.ge [sflag:s31], $0x4000  }
0xa2: {  	[sflag:s31] =	ssyncset.done $0x0  }
0xa3: {  	[sflag:s31] =	ssyncadd.s32 $0xFFFFC000  }
0xa4: {  	_ =	swait.ge [sflag:s2], $0x80  }
0xa5: {  	[sflag:s2] =	ssyncset.done $0x0  }
0xa6: {  	[sflag:s2] =	ssyncadd.s32 $0xFFFFFF80  }
0xa7: {  	_ =	swait.ge [sflag:s7], $0x4000  }
0xa8: {  	[sflag:s7] =	ssyncset.done $0x0  }
0xa9: {  	s10 =	rddreg [dreg:$0x10];
	[sflag:s7] =	ssyncadd.s32 $0xFFFFC000  }
0xaa: {  	[tilespmem:s8], [sflag:$0x5] =	stream.linear.gather [hbm4b:s10+s5], $0x10, $0x38;
	[tilespmem:$0x1E180] =	vst v63  }
0xab: {  	_ =	swait.ge [sflag:s23], $0x10  }
0xac: {  	[sflag:s23] =	ssyncset.done $0x0  }
0xad: {  	[sflag:s23] =	ssyncadd.s32 $0xFFFFFFF0  }
0xae: {  	[tilespmem:s5], [sflag:$0x5] =	stream.strided.gather [hbm4b:s18+s25], $0x800, s26, s25, $0x38;
	[tilespmem:$0x1E180] =	vst v63  }
0xaf: {  	_ =	swait.ge [sflag:s23], $0x800  }
0xb0: {  	[sflag:s23] =	ssyncset.done $0x0  }
0xb1: {  	s15 =	simm.s32 $0x10;
	[sflag:s23] =	ssyncadd.s32 $0xFFFFF800  }
0xb2: {  	[spmem:s4] =	stream.indirect.scatter.add.f32 [tilespmem:s5], [sflag:$0x5], $0x80, s8, s15, $0xb8;
	[tilespmem:$0x1E180] =	vst v63  }
0xb3: {  	_ =	swait.ge [sflag:s23], $0x800  }
0xb4: {  	[sflag:s23] =	ssyncset.done $0x0  }
0xb5: {  	[sflag:s23] =	ssyncadd.s32 $0xFFFFF800  }
0xb6: {  	v1 =	vld @!p1 [tilespmem:$0x8100];
	_ =	sdelay $0x6  }
0xb7: {  	v2 =	vimm.f32 @!p1 $1.000000000e+00;
	s16 =	stileid.u32;
	s10 =	simm.s32 @!p1 $0x8180  }
0xb8: {  	s13 =	sshrl.u32 s6, $0x3;
	s14 =	simm.s32 $0x8;
	[tilespmem:v1+s10+$0x0] =	vst.idx.add.f32.msk @!p1 $0xffff, v2;
	s10 =	sshll.u32 s16, $0x6  }
0xb9: {  	s15 =	simm.s32 $0x100;
	[bflag:$0x0] =	sbarrier.arrive $0xFFFF;
	s10 =	sor.u32 $0x1C05, s10  }
0xba: {  	[hbm:s19@s15], [sflag:s10] =	dma.strided [spmem:s13@s3], $0x2700, s14, $0x10   }
0xbb: {  	_ =	swait.ge [sflag:s23], $0x2700  }
0xbc: {  	[sflag:s23] =	ssyncset.done $0x0  }
0xbd: {  	s17 =	simm.s32 $0x8180;
	s9 =	sadd.s32 $0x1, s9;
	[sflag:s23] =	ssyncadd.s32 $0xFFFFD900  }
0xbe: {  	[hbm4b:s20+s3] =	stream.strided.scatter [tilespmem:s17], [sflag:$0x5], $0x2780, s25, s3, $0x38;
	[tilespmem:$0x1E180] =	vst v63  }
0xbf: {  	p2 =	sne.s32 s9, s22;
	_ =	swait.ge [sflag:s23], $0x2780  }
0xc0: {  	s16 =	simm.s32 @!p0 $0x80;
	s13 =	sshrl.u32 @!p0 s11, $0x3;
	[sflag:s23] =	ssyncset.done $0x0  }
0xc1: {  	s14 =	simm.s32 @!p0 $0x8;
	s15 =	simm.s32 @!p0 $0x100;
	[sflag:s23] =	ssyncadd.s32 $0xFFFFD880  }
0xc2: {  	[hbm:s21@s15], [sflag:s10] =	dma.strided @!p0 [spmem:s13@s16], $0x100, s14, $0x10   }
.Ltmp3:
0xc3: {  	_ = 	snop;
	(pc) =	sbr.rel @p2 .LBB2_1-.Ltmp3, $4  }
0xc4: {  	s10 =	simm.s32 @!p0 $0x5  }
0xc5: {  	_ =	swait.ge @!p0 [sflag:s10], $0x100  }
0xc6: {  	[sflag:s10] =	ssyncset.done @!p0 $0x0  }
0xc7: {  	[sflag:s10] =	ssyncadd.s32 @!p0 $0xFFFFFF00  }
0xc8: {  	_ =	sfence.sel $0x180000  }
0xc9: {  	[bflag:$0x0] =	sbarrier.arrive $0xFFFF  }
0xca: {  	_ =	strace $0x90000047  }
0xcb: {  	s0 =	stileid.u32;
	[bflag:$0x2] =	sbarrier.arrive $0xFFFF  }
0xcc: {  	p0 =	sne.s32 s0, $0x0;
	s0 =	rddreg [dreg:$0x5]  }
0xcd: {  	s0 =	sadd.s32 @!p0 $0x100000, s0  }
0xce: {  	[sflag:s0] =	ssyncadd.tile.s32 @!p0 $0x1;
	_ =	shalt  }
.Lfunc_end2:
_tile_overlayer_lowered:
.L_overlay_start_2:
0xcf: {  	(tag) =	ssettag $0x2  }
0xd0: {  	s0 =	rddreg [dreg:$0x0];
	s2 =	stileid.u32  }
0xd1: {  	s1 =	rddreg [dreg:$0x1];
	p0 =	sne.s32 s2, $0x0  }
0xd2: {  	s3 =	rddreg [dreg:$0x2];
	[bflag:$0x3] =	sbarrier.arrive $0xFFFF;
	s2 =	simm.s32 @!p0 $0x1C05  }
0xd3: {  	[timem:s3], [sflag:s2] =	dma.local @!p0 [hbm:s0], s1  }
0xd4: {  	s0 =	simm.s32 @!p0 $0x5  }
0xd5: {  	_ =	swait.ge @!p0 [sflag:s0], s1  }
0xd6: {  	s1 =	ssub.s32 @!p0 $0x0, s1;
	[sflag:s0] =	ssyncset.done @!p0 $0x0  }
0xd7: {  	[sflag:s0] =	ssyncadd.s32 @!p0 s1  }
0xd8: {  	[bflag:$0x3] =	sbarrier.arrive $0xFFFF  }
0xd9: {  	_ =	shalt  }

</sc_bundles>
